<compile_context>
chip_gen: v7x
topology: tpu7x:2x2x1
jax: 0.10.2.dev20260603
libtpu: 0.0.44.dev20260713+nightly
codegen_flags: <defaults>
</compile_context>

<pallas_src>
import functools

import jax
import jax.numpy as jnp
from jax import lax
from jax.experimental import pallas as pl
from jax.experimental.pallas import tpu as pltpu
from jax.experimental.pallas import tpu_sc as plsc

_B, _T = 16384, 2048
_N = _B * _T
_NC, _NS, _L = 2, 16, 16
_NW = _NC * _NS
_PER_W = _N // _NW
_CH = 16384
_NCHUNK = _PER_W // _CH
_GROUPS = _CH // 64


def _take16(v, idx):
    dn = lax.GatherDimensionNumbers(
        offset_dims=(), collapsed_slice_dims=(0,), start_index_map=(0,))
    return lax.gather(v, idx[:, None], dn, slice_sizes=(1,),
                      mode=lax.GatherScatterMode.PROMISE_IN_BOUNDS)


@functools.partial(
    pl.kernel,
    out_type=[
        jax.ShapeDtypeStruct((_NW, _L), jnp.float32),
        jax.ShapeDtypeStruct((_NW, _L), jnp.int32),
    ],
    mesh=plsc.VectorSubcoreMesh(core_axis_name="c", subcore_axis_name="s"),
    scratch_types=[
        pltpu.VMEM((2, _CH), jnp.float32),
        pltpu.VMEM((2, _CH), jnp.float32),
        pltpu.VMEM((2, _CH // 4), jnp.int32),
        pltpu.VMEM((_L,), jnp.float32),
        pltpu.VMEM((_L,), jnp.int32),
        pltpu.SemaphoreType.DMA,
        pltpu.SemaphoreType.DMA,
    ],
)
def _sc_mse(p_hbm, t_hbm, m_hbm, sums_hbm, cnts_hbm,
            pbuf, tbuf, mbuf, svec, cvec, sem0, sem1):
    wid = lax.axis_index("s") * _NC + lax.axis_index("c")
    base = wid * _PER_W

    lanes = lax.iota(jnp.int32, _L)
    word_idx = lanes >> 2
    bit_shift = (lanes & 3) << 3

    def _offs(c):
        eoff = pl.multiple_of(base + c * _CH, _CH)
        moff = pl.multiple_of(wid * (_PER_W // 4) + c * (_CH // 4), _CH // 4)
        return eoff, moff

    sems = (sem0, sem1)

    def _issue(c, b):
        eoff, moff = _offs(c)
        pltpu.async_copy(p_hbm.at[pl.ds(eoff, _CH)], pbuf.at[b], sems[b])
        pltpu.async_copy(t_hbm.at[pl.ds(eoff, _CH)], tbuf.at[b], sems[b])
        pltpu.async_copy(m_hbm.at[pl.ds(moff, _CH // 4)], mbuf.at[b], sems[b])

    def _drain(c, b):
        eoff, moff = _offs(c)
        pltpu.make_async_copy(p_hbm.at[pl.ds(eoff, _CH)], pbuf.at[b],
                              sems[b]).wait()
        pltpu.make_async_copy(t_hbm.at[pl.ds(eoff, _CH)], tbuf.at[b],
                              sems[b]).wait()
        pltpu.make_async_copy(m_hbm.at[pl.ds(moff, _CH // 4)], mbuf.at[b],
                              sems[b]).wait()

    _issue(0, 0)
    _issue(1, 1)

    def chunk_body(c, b, carry):
        _drain(c, b)
        pb, tb, mb = pbuf.at[b], tbuf.at[b], mbuf.at[b]

        def inner(j, carry):
            a0, a1, a2, a3, cnt = carry
            off = j * 64
            mw = mb[pl.ds(j * 16, 16)]
            cnt = cnt + ((mw * 0x01010101) >> 24)

            def grp(jj, acc):
                g = _take16(mw, word_idx + 4 * jj)
                keep = ((g >> bit_shift) & 1) == 0
                d = pb[pl.ds(off + 16 * jj, 16)] - tb[pl.ds(off + 16 * jj, 16)]
                dk = jnp.where(keep, d, 0.0)
                return acc + dk * dk

            return grp(0, a0), grp(1, a1), grp(2, a2), grp(3, a3), cnt

        carry = lax.fori_loop(0, _GROUPS, inner, carry)

        @pl.when(c + 2 < _NCHUNK)
        def _():
            _issue(c + 2, b)

        return carry

    zf = jnp.zeros((_L,), jnp.float32)
    zi = jnp.zeros((_L,), jnp.int32)

    def outer(g, carry):
        carry = chunk_body(2 * g, 0, carry)
        carry = chunk_body(2 * g + 1, 1, carry)
        return carry

    a0, a1, a2, a3, cnt = lax.fori_loop(
        0, _NCHUNK // 2, outer, (zf, zf, zf, zf, zi))

    svec[...] = (a0 + a1) + (a2 + a3)
    cvec[...] = cnt
    pltpu.sync_copy(svec, sums_hbm.at[wid])
    pltpu.sync_copy(cvec, cnts_hbm.at[wid])


def kernel(preds, target, mask):
    mwords = mask.reshape(-1).view(jnp.int32)
    sums, cnts = _sc_mse(preds.reshape(-1), target.reshape(-1), mwords)
    loss = jnp.sum(sums)
    kept = jnp.float32(_N) - jnp.sum(cnts).astype(jnp.float32)
    return loss / kept

# --- scband reference (transcript-rebuilt; emitter-appended) ---
"""Pipeline reference for scband-mseloss-8641474200467 (READ-ONLY COPY).

The authoritative reference and input builder live on the scoring server;
editing this copy changes nothing except your own understanding.
"""

import jax, jax.numpy as jnp
import numpy as np


def setup_inputs(seed: int = 0) -> dict:
    key = jax.random.key(seed)
    k1, k2, k3 = jax.random.split(key, 3)
    B, T = 16384, 2048
    preds = jax.random.normal(k1, (B, T), dtype=jnp.float32)
    target = jax.random.normal(k2, (B, T), dtype=jnp.float32)
    mask = jax.random.randint(k3, (B, T), 0, 2).astype(jnp.bool_)
    return {"preds": preds, "target": target, "mask": mask}


def reference(preds, target, mask):
    # mask = ~mask ; compute MSE only over kept (unmasked) elements.
    # torch.masked_select + sum is equivalent to a masked sum; we keep the
    # same math (sum of squared errors over kept elems / count of kept elems).
    m = jnp.logical_not(mask)
    mf = m.astype(preds.dtype)
    diff = preds - target
    loss = jnp.sum(diff * diff * mf)
    non_zero_elements = jnp.sum(m).astype(preds.dtype)
    mse_loss_val = loss / non_zero_elements
    return mse_loss_val

if __name__ == "__main__":
    import jax
    _d = setup_inputs()
    print(jax.jit(kernel)(*tuple(_d.values())))

</pallas_src>

<mosaic_0001>
#map = affine_map<(d0, d1) -> (0)>
#map1 = affine_map<(d0, d1) -> (0, 0)>
module attributes {stable_mosaic.version = 14 : i64} {
  func.func @_sc_mse(%arg0: i32, %arg1: i32, %arg2: memref<33554432xf32, #tpu.memory_space<hbm>>, %arg3: memref<33554432xf32, #tpu.memory_space<hbm>>, %arg4: memref<8388608xi32, #tpu.memory_space<hbm>>, %arg5: memref<32x16xf32, #tpu.memory_space<hbm>>, %arg6: memref<32x16xi32, #tpu.memory_space<hbm>>, %arg7: memref<2x16384xf32, #tpu.memory_space<vmem>>, %arg8: memref<2x16384xf32, #tpu.memory_space<vmem>>, %arg9: memref<2x4096xi32, #tpu.memory_space<vmem>>, %arg10: memref<16xf32, #tpu.memory_space<vmem>>, %arg11: memref<16xi32, #tpu.memory_space<vmem>>, %arg12: memref<!tpu.dma_semaphore, #tpu.memory_space<semaphore_mem>>, %arg13: memref<!tpu.dma_semaphore, #tpu.memory_space<semaphore_mem>>) attributes {dimension_semantics = [#tpu.dimension_semantics<core_parallel>, #tpu.dimension_semantics<subcore_parallel>], iteration_bounds = array<i64: 2, 16>, scalar_prefetch = 0 : i64, scratch_operands = 7 : i64, tpu.core_type = #tpu.core_type<sc_vector_subcore>, window_params = [{transform_indices = #map}, {transform_indices = #map}, {transform_indices = #map}, {transform_indices = #map1}, {transform_indices = #map1}]} {
    %mul3A = arith.constant 2 : i32
    %mul3A_0 = arith.muli %arg1, %mul3A : i32
    %add3A = arith.addi %mul3A_0, %arg0 : i32
    %mul3A_1 = arith.constant 1048576 : i32
    %mul3A_2 = arith.muli %add3A, %mul3A_1 : i32
    %iota3A = tpu.iota {dimensions = array<i32: 0>} : vector<16xi32>
    %shift_right_arithmetic3A = arith.constant 2 : i32
    %shift_right_arithmetic3A_3 = vector.broadcast %shift_right_arithmetic3A : i32 to vector<16xi32>
    %shift_right_arithmetic3A_4 = arith.shrsi %iota3A, %shift_right_arithmetic3A_3 : vector<16xi32>
    %and3A = arith.constant 3 : i32
    %and3A_5 = vector.broadcast %and3A : i32 to vector<16xi32>
    %and3A_6 = arith.andi %iota3A, %and3A_5 : vector<16xi32>
    %shift_left3A = arith.constant 3 : i32
    %shift_left3A_7 = vector.broadcast %shift_left3A : i32 to vector<16xi32>
    %shift_left3A_8 = arith.shli %and3A_6, %shift_left3A_7 : vector<16xi32>
    %add3A_9 = arith.constant 0 : i32
    %add3A_10 = arith.addi %mul3A_2, %add3A_9 : i32
    %multiple_of3A = tpu.assume_multiple %add3A_10, 16384 : i32
    %mul3A_11 = arith.constant 262144 : i32
    %mul3A_12 = arith.muli %add3A, %mul3A_11 : i32
    %add3A_13 = arith.constant 0 : i32
    %add3A_14 = arith.addi %mul3A_12, %add3A_13 : i32
    %multiple_of3A_15 = tpu.assume_multiple %add3A_14, 4096 : i32
    %dma_start3A = arith.constant 0 : i32
    %dma_start3A_16 = arith.constant 0 : i32
    %dma_start3A_17 = tpu.memref_slice %arg7[%dma_start3A, %dma_start3A_16] : memref<2x16384xf32, #tpu.memory_space<vmem>> -> memref<1x16384xf32, #tpu.memory_space<vmem>>
    %dma_start3A_18 = tpu.memref_squeeze %dma_start3A_17 : memref<1x16384xf32, #tpu.memory_space<vmem>> -> memref<16384xf32, #tpu.memory_space<vmem>>
    %dma_start3A_19 = tpu.memref_slice %arg2[%multiple_of3A] : memref<33554432xf32, #tpu.memory_space<hbm>> -> memref<16384xf32, #tpu.memory_space<hbm>>
    %dma_start3A_20 = arith.constant 0 : i32
    %dma_start3A_21 = tpu.memref_slice %arg7[%dma_start3A, %dma_start3A_20] : memref<2x16384xf32, #tpu.memory_space<vmem>> -> memref<1x16384xf32, #tpu.memory_space<vmem>>
    %dma_start3A_22 = tpu.memref_squeeze %dma_start3A_21 : memref<1x16384xf32, #tpu.memory_space<vmem>> -> memref<16384xf32, #tpu.memory_space<vmem>>
    %dma_start3A_23 = tpu.memref_slice %arg2[%multiple_of3A] : memref<33554432xf32, #tpu.memory_space<hbm>> -> memref<16384xf32, #tpu.memory_space<hbm>>
    tpu.enqueue_dma source(%dma_start3A_23 : memref<16384xf32, #tpu.memory_space<hbm>>) target(%dma_start3A_22 : memref<16384xf32, #tpu.memory_space<vmem>>) target_semaphore(%arg12 : memref<!tpu.dma_semaphore, #tpu.memory_space<semaphore_mem>>)
    %dma_start3A_24 = arith.constant 0 : i32
    %dma_start3A_25 = arith.constant 0 : i32
    %dma_start3A_26 = tpu.memref_slice %arg8[%dma_start3A_24, %dma_start3A_25] : memref<2x16384xf32, #tpu.memory_space<vmem>> -> memref<1x16384xf32, #tpu.memory_space<vmem>>
    %dma_start3A_27 = tpu.memref_squeeze %dma_start3A_26 : memref<1x16384xf32, #tpu.memory_space<vmem>> -> memref<16384xf32, #tpu.memory_space<vmem>>
    %dma_start3A_28 = tpu.memref_slice %arg3[%multiple_of3A] : memref<33554432xf32, #tpu.memory_space<hbm>> -> memref<16384xf32, #tpu.memory_space<hbm>>
    %dma_start3A_29 = arith.constant 0 : i32
    %dma_start3A_30 = tpu.memref_slice %arg8[%dma_start3A_24, %dma_start3A_29] : memref<2x16384xf32, #tpu.memory_space<vmem>> -> memref<1x16384xf32, #tpu.memory_space<vmem>>
    %dma_start3A_31 = tpu.memref_squeeze %dma_start3A_30 : memref<1x16384xf32, #tpu.memory_space<vmem>> -> memref<16384xf32, #tpu.memory_space<vmem>>
    %dma_start3A_32 = tpu.memref_slice %arg3[%multiple_of3A] : memref<33554432xf32, #tpu.memory_space<hbm>> -> memref<16384xf32, #tpu.memory_space<hbm>>
    tpu.enqueue_dma source(%dma_start3A_32 : memref<16384xf32, #tpu.memory_space<hbm>>) target(%dma_start3A_31 : memref<16384xf32, #tpu.memory_space<vmem>>) target_semaphore(%arg12 : memref<!tpu.dma_semaphore, #tpu.memory_space<semaphore_mem>>)
    %dma_start3A_33 = arith.constant 0 : i32
    %dma_start3A_34 = arith.constant 0 : i32
    %dma_start3A_35 = tpu.memref_slice %arg9[%dma_start3A_33, %dma_start3A_34] : memref<2x4096xi32, #tpu.memory_space<vmem>> -> memref<1x4096xi32, #tpu.memory_space<vmem>>
    %dma_start3A_36 = tpu.memref_squeeze %dma_start3A_35 : memref<1x4096xi32, #tpu.memory_space<vmem>> -> memref<4096xi32, #tpu.memory_space<vmem>>
    %dma_start3A_37 = tpu.memref_slice %arg4[%multiple_of3A_15] : memref<8388608xi32, #tpu.memory_space<hbm>> -> memref<4096xi32, #tpu.memory_space<hbm>>
    %dma_start3A_38 = arith.constant 0 : i32
    %dma_start3A_39 = tpu.memref_slice %arg9[%dma_start3A_33, %dma_start3A_38] : memref<2x4096xi32, #tpu.memory_space<vmem>> -> memref<1x4096xi32, #tpu.memory_space<vmem>>
    %dma_start3A_40 = tpu.memref_squeeze %dma_start3A_39 : memref<1x4096xi32, #tpu.memory_space<vmem>> -> memref<4096xi32, #tpu.memory_space<vmem>>
    %dma_start3A_41 = tpu.memref_slice %arg4[%multiple_of3A_15] : memref<8388608xi32, #tpu.memory_space<hbm>> -> memref<4096xi32, #tpu.memory_space<hbm>>
    tpu.enqueue_dma source(%dma_start3A_41 : memref<4096xi32, #tpu.memory_space<hbm>>) target(%dma_start3A_40 : memref<4096xi32, #tpu.memory_space<vmem>>) target_semaphore(%arg12 : memref<!tpu.dma_semaphore, #tpu.memory_space<semaphore_mem>>)
    %add3A_42 = arith.constant 16384 : i32
    %add3A_43 = arith.addi %mul3A_2, %add3A_42 : i32
    %multiple_of3A_44 = tpu.assume_multiple %add3A_43, 16384 : i32
    %mul3A_45 = arith.constant 262144 : i32
    %mul3A_46 = arith.muli %add3A, %mul3A_45 : i32
    %add3A_47 = arith.constant 4096 : i32
    %add3A_48 = arith.addi %mul3A_46, %add3A_47 : i32
    %multiple_of3A_49 = tpu.assume_multiple %add3A_48, 4096 : i32
    %dma_start3A_50 = arith.constant 1 : i32
    %dma_start3A_51 = arith.constant 0 : i32
    %dma_start3A_52 = tpu.memref_slice %arg7[%dma_start3A_50, %dma_start3A_51] : memref<2x16384xf32, #tpu.memory_space<vmem>> -> memref<1x16384xf32, #tpu.memory_space<vmem>>
    %dma_start3A_53 = tpu.memref_squeeze %dma_start3A_52 : memref<1x16384xf32, #tpu.memory_space<vmem>> -> memref<16384xf32, #tpu.memory_space<vmem>>
    %dma_start3A_54 = tpu.memref_slice %arg2[%multiple_of3A_44] : memref<33554432xf32, #tpu.memory_space<hbm>> -> memref<16384xf32, #tpu.memory_space<hbm>>
    %dma_start3A_55 = arith.constant 0 : i32
    %dma_start3A_56 = tpu.memref_slice %arg7[%dma_start3A_50, %dma_start3A_55] : memref<2x16384xf32, #tpu.memory_space<vmem>> -> memref<1x16384xf32, #tpu.memory_space<vmem>>
    %dma_start3A_57 = tpu.memref_squeeze %dma_start3A_56 : memref<1x16384xf32, #tpu.memory_space<vmem>> -> memref<16384xf32, #tpu.memory_space<vmem>>
    %dma_start3A_58 = tpu.memref_slice %arg2[%multiple_of3A_44] : memref<33554432xf32, #tpu.memory_space<hbm>> -> memref<16384xf32, #tpu.memory_space<hbm>>
    tpu.enqueue_dma source(%dma_start3A_58 : memref<16384xf32, #tpu.memory_space<hbm>>) target(%dma_start3A_57 : memref<16384xf32, #tpu.memory_space<vmem>>) target_semaphore(%arg13 : memref<!tpu.dma_semaphore, #tpu.memory_space<semaphore_mem>>)
    %dma_start3A_59 = arith.constant 1 : i32
    %dma_start3A_60 = arith.constant 0 : i32
    %dma_start3A_61 = tpu.memref_slice %arg8[%dma_start3A_59, %dma_start3A_60] : memref<2x16384xf32, #tpu.memory_space<vmem>> -> memref<1x16384xf32, #tpu.memory_space<vmem>>
    %dma_start3A_62 = tpu.memref_squeeze %dma_start3A_61 : memref<1x16384xf32, #tpu.memory_space<vmem>> -> memref<16384xf32, #tpu.memory_space<vmem>>
    %dma_start3A_63 = tpu.memref_slice %arg3[%multiple_of3A_44] : memref<33554432xf32, #tpu.memory_space<hbm>> -> memref<16384xf32, #tpu.memory_space<hbm>>
    %dma_start3A_64 = arith.constant 0 : i32
    %dma_start3A_65 = tpu.memref_slice %arg8[%dma_start3A_59, %dma_start3A_64] : memref<2x16384xf32, #tpu.memory_space<vmem>> -> memref<1x16384xf32, #tpu.memory_space<vmem>>
    %dma_start3A_66 = tpu.memref_squeeze %dma_start3A_65 : memref<1x16384xf32, #tpu.memory_space<vmem>> -> memref<16384xf32, #tpu.memory_space<vmem>>
    %dma_start3A_67 = tpu.memref_slice %arg3[%multiple_of3A_44] : memref<33554432xf32, #tpu.memory_space<hbm>> -> memref<16384xf32, #tpu.memory_space<hbm>>
    tpu.enqueue_dma source(%dma_start3A_67 : memref<16384xf32, #tpu.memory_space<hbm>>) target(%dma_start3A_66 : memref<16384xf32, #tpu.memory_space<vmem>>) target_semaphore(%arg13 : memref<!tpu.dma_semaphore, #tpu.memory_space<semaphore_mem>>)
    %dma_start3A_68 = arith.constant 1 : i32
    %dma_start3A_69 = arith.constant 0 : i32
    %dma_start3A_70 = tpu.memref_slice %arg9[%dma_start3A_68, %dma_start3A_69] : memref<2x4096xi32, #tpu.memory_space<vmem>> -> memref<1x4096xi32, #tpu.memory_space<vmem>>
    %dma_start3A_71 = tpu.memref_squeeze %dma_start3A_70 : memref<1x4096xi32, #tpu.memory_space<vmem>> -> memref<4096xi32, #tpu.memory_space<vmem>>
    %dma_start3A_72 = tpu.memref_slice %arg4[%multiple_of3A_49] : memref<8388608xi32, #tpu.memory_space<hbm>> -> memref<4096xi32, #tpu.memory_space<hbm>>
    %dma_start3A_73 = arith.constant 0 : i32
    %dma_start3A_74 = tpu.memref_slice %arg9[%dma_start3A_68, %dma_start3A_73] : memref<2x4096xi32, #tpu.memory_space<vmem>> -> memref<1x4096xi32, #tpu.memory_space<vmem>>
    %dma_start3A_75 = tpu.memref_squeeze %dma_start3A_74 : memref<1x4096xi32, #tpu.memory_space<vmem>> -> memref<4096xi32, #tpu.memory_space<vmem>>
    %dma_start3A_76 = tpu.memref_slice %arg4[%multiple_of3A_49] : memref<8388608xi32, #tpu.memory_space<hbm>> -> memref<4096xi32, #tpu.memory_space<hbm>>
    tpu.enqueue_dma source(%dma_start3A_76 : memref<4096xi32, #tpu.memory_space<hbm>>) target(%dma_start3A_75 : memref<4096xi32, #tpu.memory_space<vmem>>) target_semaphore(%arg13 : memref<!tpu.dma_semaphore, #tpu.memory_space<semaphore_mem>>)
    %broadcast_in_dim3A = arith.constant 0.000000e+00 : f32
    %broadcast_in_dim3A_77 = vector.broadcast %broadcast_in_dim3A : f32 to vector<16xf32>
    %broadcast_in_dim3A_78 = arith.constant 0 : i32
    %broadcast_in_dim3A_79 = vector.broadcast %broadcast_in_dim3A_78 : i32 to vector<16xi32>
    %scan3A = arith.constant 0 : i32
    %scan3A_80 = arith.constant 32 : i32
    %scan3A_81 = arith.addi %scan3A, %scan3A_80 : i32
    %scan3A_82 = arith.constant 1 : i32
    %scan3A_83:5 = scf.for %scan3A_95 = %scan3A to %scan3A_81 step %scan3A_82 iter_args(%scan3A_96 = %broadcast_in_dim3A_77, %scan3A_97 = %broadcast_in_dim3A_77, %scan3A_98 = %broadcast_in_dim3A_77, %scan3A_99 = %broadcast_in_dim3A_77, %scan3A_100 = %broadcast_in_dim3A_79) -> (vector<16xf32>, vector<16xf32>, vector<16xf32>, vector<16xf32>, vector<16xi32>)  : i32 {
      %mul3A_101 = arith.constant 2 : i32
      %mul3A_102 = arith.muli %mul3A_101, %scan3A_95 : i32
      %mul3A_103 = arith.constant 16384 : i32
      %mul3A_104 = arith.muli %mul3A_102, %mul3A_103 : i32
      %add3A_105 = arith.addi %mul3A_2, %mul3A_104 : i32
      %multiple_of3A_106 = tpu.assume_multiple %add3A_105, 16384 : i32
      %mul3A_107 = arith.constant 262144 : i32
      %mul3A_108 = arith.muli %add3A, %mul3A_107 : i32
      %mul3A_109 = arith.constant 4096 : i32
      %mul3A_110 = arith.muli %mul3A_102, %mul3A_109 : i32
      %add3A_111 = arith.addi %mul3A_108, %mul3A_110 : i32
      %multiple_of3A_112 = tpu.assume_multiple %add3A_111, 4096 : i32
      %dma_wait3A = arith.constant 0 : i32
      %dma_wait3A_113 = arith.constant 0 : i32
      %dma_wait3A_114 = tpu.memref_slice %arg7[%dma_wait3A, %dma_wait3A_113] : memref<2x16384xf32, #tpu.memory_space<vmem>> -> memref<1x16384xf32, #tpu.memory_space<vmem>>
      %dma_wait3A_115 = tpu.memref_squeeze %dma_wait3A_114 : memref<1x16384xf32, #tpu.memory_space<vmem>> -> memref<16384xf32, #tpu.memory_space<vmem>>
      %dma_wait3A_116 = tpu.memref_slice %arg2[%multiple_of3A_106] : memref<33554432xf32, #tpu.memory_space<hbm>> -> memref<16384xf32, #tpu.memory_space<hbm>>
      %dma_wait3A_117 = arith.constant 0 : i32
      %dma_wait3A_118 = tpu.memref_slice %arg7[%dma_wait3A, %dma_wait3A_117] : memref<2x16384xf32, #tpu.memory_space<vmem>> -> memref<1x16384xf32, #tpu.memory_space<vmem>>
      %dma_wait3A_119 = tpu.memref_squeeze %dma_wait3A_118 : memref<1x16384xf32, #tpu.memory_space<vmem>> -> memref<16384xf32, #tpu.memory_space<vmem>>
      %dma_wait3A_120 = tpu.memref_slice %arg2[%multiple_of3A_106] : memref<33554432xf32, #tpu.memory_space<hbm>> -> memref<16384xf32, #tpu.memory_space<hbm>>
      tpu.wait_dma2 semaphore(%arg12 : memref<!tpu.dma_semaphore, #tpu.memory_space<semaphore_mem>>) src(%dma_wait3A_120 : memref<16384xf32, #tpu.memory_space<hbm>>) dst(%dma_wait3A_119 : memref<16384xf32, #tpu.memory_space<vmem>>)
      %dma_wait3A_121 = arith.constant 0 : i32
      %dma_wait3A_122 = arith.constant 0 : i32
      %dma_wait3A_123 = tpu.memref_slice %arg8[%dma_wait3A_121, %dma_wait3A_122] : memref<2x16384xf32, #tpu.memory_space<vmem>> -> memref<1x16384xf32, #tpu.memory_space<vmem>>
      %dma_wait3A_124 = tpu.memref_squeeze %dma_wait3A_123 : memref<1x16384xf32, #tpu.memory_space<vmem>> -> memref<16384xf32, #tpu.memory_space<vmem>>
      %dma_wait3A_125 = tpu.memref_slice %arg3[%multiple_of3A_106] : memref<33554432xf32, #tpu.memory_space<hbm>> -> memref<16384xf32, #tpu.memory_space<hbm>>
      %dma_wait3A_126 = arith.constant 0 : i32
      %dma_wait3A_127 = tpu.memref_slice %arg8[%dma_wait3A_121, %dma_wait3A_126] : memref<2x16384xf32, #tpu.memory_space<vmem>> -> memref<1x16384xf32, #tpu.memory_space<vmem>>
      %dma_wait3A_128 = tpu.memref_squeeze %dma_wait3A_127 : memref<1x16384xf32, #tpu.memory_space<vmem>> -> memref<16384xf32, #tpu.memory_space<vmem>>
      %dma_wait3A_129 = tpu.memref_slice %arg3[%multiple_of3A_106] : memref<33554432xf32, #tpu.memory_space<hbm>> -> memref<16384xf32, #tpu.memory_space<hbm>>
      tpu.wait_dma2 semaphore(%arg12 : memref<!tpu.dma_semaphore, #tpu.memory_space<semaphore_mem>>) src(%dma_wait3A_129 : memref<16384xf32, #tpu.memory_space<hbm>>) dst(%dma_wait3A_128 : memref<16384xf32, #tpu.memory_space<vmem>>)
      %dma_wait3A_130 = arith.constant 0 : i32
      %dma_wait3A_131 = arith.constant 0 : i32
      %dma_wait3A_132 = tpu.memref_slice %arg9[%dma_wait3A_130, %dma_wait3A_131] : memref<2x4096xi32, #tpu.memory_space<vmem>> -> memref<1x4096xi32, #tpu.memory_space<vmem>>
      %dma_wait3A_133 = tpu.memref_squeeze %dma_wait3A_132 : memref<1x4096xi32, #tpu.memory_space<vmem>> -> memref<4096xi32, #tpu.memory_space<vmem>>
      %dma_wait3A_134 = tpu.memref_slice %arg4[%multiple_of3A_112] : memref<8388608xi32, #tpu.memory_space<hbm>> -> memref<4096xi32, #tpu.memory_space<hbm>>
      %dma_wait3A_135 = arith.constant 0 : i32
      %dma_wait3A_136 = tpu.memref_slice %arg9[%dma_wait3A_130, %dma_wait3A_135] : memref<2x4096xi32, #tpu.memory_space<vmem>> -> memref<1x4096xi32, #tpu.memory_space<vmem>>
      %dma_wait3A_137 = tpu.memref_squeeze %dma_wait3A_136 : memref<1x4096xi32, #tpu.memory_space<vmem>> -> memref<4096xi32, #tpu.memory_space<vmem>>
      %dma_wait3A_138 = tpu.memref_slice %arg4[%multiple_of3A_112] : memref<8388608xi32, #tpu.memory_space<hbm>> -> memref<4096xi32, #tpu.memory_space<hbm>>
      tpu.wait_dma2 semaphore(%arg12 : memref<!tpu.dma_semaphore, #tpu.memory_space<semaphore_mem>>) src(%dma_wait3A_138 : memref<4096xi32, #tpu.memory_space<hbm>>) dst(%dma_wait3A_137 : memref<4096xi32, #tpu.memory_space<vmem>>)
      %scan3A_139 = arith.constant 0 : i32
      %scan3A_140 = arith.constant 0 : i32
      %scan3A_141 = arith.constant 0 : i32
      %scan3A_142 = arith.constant 0 : i32
      %scan3A_143 = arith.constant 256 : i32
      %scan3A_144 = arith.addi %scan3A_142, %scan3A_143 : i32
      %scan3A_145 = arith.constant 1 : i32
      %scan3A_146:5 = scf.for %scan3A_209 = %scan3A_142 to %scan3A_144 step %scan3A_145 iter_args(%scan3A_210 = %scan3A_96, %scan3A_211 = %scan3A_97, %scan3A_212 = %scan3A_98, %scan3A_213 = %scan3A_99, %scan3A_214 = %scan3A_100) -> (vector<16xf32>, vector<16xf32>, vector<16xf32>, vector<16xf32>, vector<16xi32>)  : i32 {
        %mul3A_215 = arith.constant 64 : i32
        %mul3A_216 = arith.muli %scan3A_209, %mul3A_215 : i32
        %mul3A_217 = arith.constant 16 : i32
        %mul3A_218 = arith.muli %scan3A_209, %mul3A_217 : i32
        %get3A = arith.constant 0 : i32
        %get3A_219 = tpu.memref_slice %arg9[%scan3A_139, %get3A] : memref<2x4096xi32, #tpu.memory_space<vmem>> -> memref<1x4096xi32, #tpu.memory_space<vmem>>
        %get3A_220 = tpu.memref_squeeze %get3A_219 : memref<1x4096xi32, #tpu.memory_space<vmem>> -> memref<4096xi32, #tpu.memory_space<vmem>>
        %get3A_221 = arith.index_cast %mul3A_218 : i32 to index
        %get3A_222 = tpu.vector_load %get3A_220[%get3A_221] {strides = array<i32>} : memref<4096xi32, #tpu.memory_space<vmem>>, vector<16xi32>,
        %get3A_223 = vector.shape_cast %get3A_222 : vector<16xi32> to vector<16xi32>
        %mul3A_224 = arith.constant 16843009 : i32
        %mul3A_225 = vector.broadcast %mul3A_224 : i32 to vector<16xi32>
        %mul3A_226 = arith.muli %get3A_223, %mul3A_225 : vector<16xi32>
        %shift_right_arithmetic3A_227 = arith.constant 24 : i32
        %shift_right_arithmetic3A_228 = vector.broadcast %shift_right_arithmetic3A_227 : i32 to vector<16xi32>
        %shift_right_arithmetic3A_229 = arith.shrsi %mul3A_226, %shift_right_arithmetic3A_228 : vector<16xi32>
        %add3A_230 = arith.addi %scan3A_214, %shift_right_arithmetic3A_229 : vector<16xi32>
        %add3A_231 = arith.constant 0 : i32
        %add3A_232 = vector.broadcast %add3A_231 : i32 to vector<16xi32>
        %add3A_233 = arith.addi %shift_right_arithmetic3A_4, %add3A_232 : vector<16xi32>
        %broadcast_in_dim3A_234 = vector.shape_cast %add3A_233 : vector<16xi32> to vector<16x1xi32>
        %gather3A = vector.shape_cast %broadcast_in_dim3A_234 : vector<16x1xi32> to vector<16xi32>
        %gather3A_235 = tpu.dynamic_gather %get3A_223[%gather3A] in [0] : vector<16xi32>, vector<16xi32> -> vector<16xi32>
        %shift_right_arithmetic3A_236 = arith.shrsi %gather3A_235, %shift_left3A_8 : vector<16xi32>
        %and3A_237 = arith.constant 1 : i32
        %and3A_238 = vector.broadcast %and3A_237 : i32 to vector<16xi32>
        %and3A_239 = arith.andi %shift_right_arithmetic3A_236, %and3A_238 : vector<16xi32>
        %eq3A = arith.constant 0 : i32
        %eq3A_240 = vector.broadcast %eq3A : i32 to vector<16xi32>
        %eq3A_241 = arith.cmpi eq, %and3A_239, %eq3A_240 : vector<16xi32>
        %add3A_242 = arith.constant 0 : i32
        %add3A_243 = arith.addi %mul3A_216, %add3A_242 : i32
        %get3A_244 = arith.constant 0 : i32
        %get3A_245 = tpu.memref_slice %arg7[%scan3A_140, %get3A_244] : memref<2x16384xf32, #tpu.memory_space<vmem>> -> memref<1x16384xf32, #tpu.memory_space<vmem>>
        %get3A_246 = tpu.memref_squeeze %get3A_245 : memref<1x16384xf32, #tpu.memory_space<vmem>> -> memref<16384xf32, #tpu.memory_space<vmem>>
        %get3A_247 = arith.index_cast %add3A_243 : i32 to index
        %get3A_248 = tpu.vector_load %get3A_246[%get3A_247] {strides = array<i32>} : memref<16384xf32, #tpu.memory_space<vmem>>, vector<16xf32>,
        %get3A_249 = vector.shape_cast %get3A_248 : vector<16xf32> to vector<16xf32>
        %add3A_250 = arith.constant 0 : i32
        %add3A_251 = arith.addi %mul3A_216, %add3A_250 : i32
        %get3A_252 = arith.constant 0 : i32
        %get3A_253 = tpu.memref_slice %arg8[%scan3A_141, %get3A_252] : memref<2x16384xf32, #tpu.memory_space<vmem>> -> memref<1x16384xf32, #tpu.memory_space<vmem>>
        %get3A_254 = tpu.memref_squeeze %get3A_253 : memref<1x16384xf32, #tpu.memory_space<vmem>> -> memref<16384xf32, #tpu.memory_space<vmem>>
        %get3A_255 = arith.index_cast %add3A_251 : i32 to index
        %get3A_256 = tpu.vector_load %get3A_254[%get3A_255] {strides = array<i32>} : memref<16384xf32, #tpu.memory_space<vmem>>, vector<16xf32>,
        %get3A_257 = vector.shape_cast %get3A_256 : vector<16xf32> to vector<16xf32>
        %sub3A = arith.subf %get3A_249, %get3A_257 : vector<16xf32>
        %jit3A = arith.constant 0.000000e+00 : f32
        %broadcast_in_dim3A_258 = vector.broadcast %jit3A : f32 to vector<16xf32>
        %select_n3A = arith.select %eq3A_241, %sub3A, %broadcast_in_dim3A_258 : vector<16xi1>, vector<16xf32>
        %mul3A_259 = arith.mulf %select_n3A, %select_n3A : vector<16xf32>
        %add3A_260 = arith.addf %scan3A_210, %mul3A_259 : vector<16xf32>
        %add3A_261 = arith.constant 4 : i32
        %add3A_262 = vector.broadcast %add3A_261 : i32 to vector<16xi32>
        %add3A_263 = arith.addi %shift_right_arithmetic3A_4, %add3A_262 : vector<16xi32>
        %broadcast_in_dim3A_264 = vector.shape_cast %add3A_263 : vector<16xi32> to vector<16x1xi32>
        %gather3A_265 = vector.shape_cast %broadcast_in_dim3A_264 : vector<16x1xi32> to vector<16xi32>
        %gather3A_266 = tpu.dynamic_gather %get3A_223[%gather3A_265] in [0] : vector<16xi32>, vector<16xi32> -> vector<16xi32>
        %shift_right_arithmetic3A_267 = arith.shrsi %gather3A_266, %shift_left3A_8 : vector<16xi32>
        %and3A_268 = arith.constant 1 : i32
        %and3A_269 = vector.broadcast %and3A_268 : i32 to vector<16xi32>
        %and3A_270 = arith.andi %shift_right_arithmetic3A_267, %and3A_269 : vector<16xi32>
        %eq3A_271 = arith.constant 0 : i32
        %eq3A_272 = vector.broadcast %eq3A_271 : i32 to vector<16xi32>
        %eq3A_273 = arith.cmpi eq, %and3A_270, %eq3A_272 : vector<16xi32>
        %add3A_274 = arith.constant 16 : i32
        %add3A_275 = arith.addi %mul3A_216, %add3A_274 : i32
        %get3A_276 = arith.constant 0 : i32
        %get3A_277 = tpu.memref_slice %arg7[%scan3A_140, %get3A_276] : memref<2x16384xf32, #tpu.memory_space<vmem>> -> memref<1x16384xf32, #tpu.memory_space<vmem>>
        %get3A_278 = tpu.memref_squeeze %get3A_277 : memref<1x16384xf32, #tpu.memory_space<vmem>> -> memref<16384xf32, #tpu.memory_space<vmem>>
        %get3A_279 = arith.index_cast %add3A_275 : i32 to index
        %get3A_280 = tpu.vector_load %get3A_278[%get3A_279] {strides = array<i32>} : memref<16384xf32, #tpu.memory_space<vmem>>, vector<16xf32>,
        %get3A_281 = vector.shape_cast %get3A_280 : vector<16xf32> to vector<16xf32>
        %add3A_282 = arith.constant 16 : i32
        %add3A_283 = arith.addi %mul3A_216, %add3A_282 : i32
        %get3A_284 = arith.constant 0 : i32
        %get3A_285 = tpu.memref_slice %arg8[%scan3A_141, %get3A_284] : memref<2x16384xf32, #tpu.memory_space<vmem>> -> memref<1x16384xf32, #tpu.memory_space<vmem>>
        %get3A_286 = tpu.memref_squeeze %get3A_285 : memref<1x16384xf32, #tpu.memory_space<vmem>> -> memref<16384xf32, #tpu.memory_space<vmem>>
        %get3A_287 = arith.index_cast %add3A_283 : i32 to index
        %get3A_288 = tpu.vector_load %get3A_286[%get3A_287] {strides = array<i32>} : memref<16384xf32, #tpu.memory_space<vmem>>, vector<16xf32>,
        %get3A_289 = vector.shape_cast %get3A_288 : vector<16xf32> to vector<16xf32>
        %sub3A_290 = arith.subf %get3A_281, %get3A_289 : vector<16xf32>
        %jit3A_291 = arith.constant 0.000000e+00 : f32
        %broadcast_in_dim3A_292 = vector.broadcast %jit3A_291 : f32 to vector<16xf32>
        %select_n3A_293 = arith.select %eq3A_273, %sub3A_290, %broadcast_in_dim3A_292 : vector<16xi1>, vector<16xf32>
        %mul3A_294 = arith.mulf %select_n3A_293, %select_n3A_293 : vector<16xf32>
        %add3A_295 = arith.addf %scan3A_211, %mul3A_294 : vector<16xf32>
        %add3A_296 = arith.constant 8 : i32
        %add3A_297 = vector.broadcast %add3A_296 : i32 to vector<16xi32>
        %add3A_298 = arith.addi %shift_right_arithmetic3A_4, %add3A_297 : vector<16xi32>
        %broadcast_in_dim3A_299 = vector.shape_cast %add3A_298 : vector<16xi32> to vector<16x1xi32>
        %gather3A_300 = vector.shape_cast %broadcast_in_dim3A_299 : vector<16x1xi32> to vector<16xi32>
        %gather3A_301 = tpu.dynamic_gather %get3A_223[%gather3A_300] in [0] : vector<16xi32>, vector<16xi32> -> vector<16xi32>
        %shift_right_arithmetic3A_302 = arith.shrsi %gather3A_301, %shift_left3A_8 : vector<16xi32>
        %and3A_303 = arith.constant 1 : i32
        %and3A_304 = vector.broadcast %and3A_303 : i32 to vector<16xi32>
        %and3A_305 = arith.andi %shift_right_arithmetic3A_302, %and3A_304 : vector<16xi32>
        %eq3A_306 = arith.constant 0 : i32
        %eq3A_307 = vector.broadcast %eq3A_306 : i32 to vector<16xi32>
        %eq3A_308 = arith.cmpi eq, %and3A_305, %eq3A_307 : vector<16xi32>
        %add3A_309 = arith.constant 32 : i32
        %add3A_310 = arith.addi %mul3A_216, %add3A_309 : i32
        %get3A_311 = arith.constant 0 : i32
        %get3A_312 = tpu.memref_slice %arg7[%scan3A_140, %get3A_311] : memref<2x16384xf32, #tpu.memory_space<vmem>> -> memref<1x16384xf32, #tpu.memory_space<vmem>>
        %get3A_313 = tpu.memref_squeeze %get3A_312 : memref<1x16384xf32, #tpu.memory_space<vmem>> -> memref<16384xf32, #tpu.memory_space<vmem>>
        %get3A_314 = arith.index_cast %add3A_310 : i32 to index
        %get3A_315 = tpu.vector_load %get3A_313[%get3A_314] {strides = array<i32>} : memref<16384xf32, #tpu.memory_space<vmem>>, vector<16xf32>,
        %get3A_316 = vector.shape_cast %get3A_315 : vector<16xf32> to vector<16xf32>
        %add3A_317 = arith.constant 32 : i32
        %add3A_318 = arith.addi %mul3A_216, %add3A_317 : i32
        %get3A_319 = arith.constant 0 : i32
        %get3A_320 = tpu.memref_slice %arg8[%scan3A_141, %get3A_319] : memref<2x16384xf32, #tpu.memory_space<vmem>> -> memref<1x16384xf32, #tpu.memory_space<vmem>>
        %get3A_321 = tpu.memref_squeeze %get3A_320 : memref<1x16384xf32, #tpu.memory_space<vmem>> -> memref<16384xf32, #tpu.memory_space<vmem>>
        %get3A_322 = arith.index_cast %add3A_318 : i32 to index
        %get3A_323 = tpu.vector_load %get3A_321[%get3A_322] {strides = array<i32>} : memref<16384xf32, #tpu.memory_space<vmem>>, vector<16xf32>,
        %get3A_324 = vector.shape_cast %get3A_323 : vector<16xf32> to vector<16xf32>
        %sub3A_325 = arith.subf %get3A_316, %get3A_324 : vector<16xf32>
        %jit3A_326 = arith.constant 0.000000e+00 : f32
        %broadcast_in_dim3A_327 = vector.broadcast %jit3A_326 : f32 to vector<16xf32>
        %select_n3A_328 = arith.select %eq3A_308, %sub3A_325, %broadcast_in_dim3A_327 : vector<16xi1>, vector<16xf32>
        %mul3A_329 = arith.mulf %select_n3A_328, %select_n3A_328 : vector<16xf32>
        %add3A_330 = arith.addf %scan3A_212, %mul3A_329 : vector<16xf32>
        %add3A_331 = arith.constant 12 : i32
        %add3A_332 = vector.broadcast %add3A_331 : i32 to vector<16xi32>
        %add3A_333 = arith.addi %shift_right_arithmetic3A_4, %add3A_332 : vector<16xi32>
        %broadcast_in_dim3A_334 = vector.shape_cast %add3A_333 : vector<16xi32> to vector<16x1xi32>
        %gather3A_335 = vector.shape_cast %broadcast_in_dim3A_334 : vector<16x1xi32> to vector<16xi32>
        %gather3A_336 = tpu.dynamic_gather %get3A_223[%gather3A_335] in [0] : vector<16xi32>, vector<16xi32> -> vector<16xi32>
        %shift_right_arithmetic3A_337 = arith.shrsi %gather3A_336, %shift_left3A_8 : vector<16xi32>
        %and3A_338 = arith.constant 1 : i32
        %and3A_339 = vector.broadcast %and3A_338 : i32 to vector<16xi32>
        %and3A_340 = arith.andi %shift_right_arithmetic3A_337, %and3A_339 : vector<16xi32>
        %eq3A_341 = arith.constant 0 : i32
        %eq3A_342 = vector.broadcast %eq3A_341 : i32 to vector<16xi32>
        %eq3A_343 = arith.cmpi eq, %and3A_340, %eq3A_342 : vector<16xi32>
        %add3A_344 = arith.constant 48 : i32
        %add3A_345 = arith.addi %mul3A_216, %add3A_344 : i32
        %get3A_346 = arith.constant 0 : i32
        %get3A_347 = tpu.memref_slice %arg7[%scan3A_140, %get3A_346] : memref<2x16384xf32, #tpu.memory_space<vmem>> -> memref<1x16384xf32, #tpu.memory_space<vmem>>
        %get3A_348 = tpu.memref_squeeze %get3A_347 : memref<1x16384xf32, #tpu.memory_space<vmem>> -> memref<16384xf32, #tpu.memory_space<vmem>>
        %get3A_349 = arith.index_cast %add3A_345 : i32 to index
        %get3A_350 = tpu.vector_load %get3A_348[%get3A_349] {strides = array<i32>} : memref<16384xf32, #tpu.memory_space<vmem>>, vector<16xf32>,
        %get3A_351 = vector.shape_cast %get3A_350 : vector<16xf32> to vector<16xf32>
        %add3A_352 = arith.constant 48 : i32
        %add3A_353 = arith.addi %mul3A_216, %add3A_352 : i32
        %get3A_354 = arith.constant 0 : i32
        %get3A_355 = tpu.memref_slice %arg8[%scan3A_141, %get3A_354] : memref<2x16384xf32, #tpu.memory_space<vmem>> -> memref<1x16384xf32, #tpu.memory_space<vmem>>
        %get3A_356 = tpu.memref_squeeze %get3A_355 : memref<1x16384xf32, #tpu.memory_space<vmem>> -> memref<16384xf32, #tpu.memory_space<vmem>>
        %get3A_357 = arith.index_cast %add3A_353 : i32 to index
        %get3A_358 = tpu.vector_load %get3A_356[%get3A_357] {strides = array<i32>} : memref<16384xf32, #tpu.memory_space<vmem>>, vector<16xf32>,
        %get3A_359 = vector.shape_cast %get3A_358 : vector<16xf32> to vector<16xf32>
        %sub3A_360 = arith.subf %get3A_351, %get3A_359 : vector<16xf32>
        %jit3A_361 = arith.constant 0.000000e+00 : f32
        %broadcast_in_dim3A_362 = vector.broadcast %jit3A_361 : f32 to vector<16xf32>
        %select_n3A_363 = arith.select %eq3A_343, %sub3A_360, %broadcast_in_dim3A_362 : vector<16xi1>, vector<16xf32>
        %mul3A_364 = arith.mulf %select_n3A_363, %select_n3A_363 : vector<16xf32>
        %add3A_365 = arith.addf %scan3A_213, %mul3A_364 : vector<16xf32>
        scf.yield %add3A_260, %add3A_295, %add3A_330, %add3A_365, %add3A_230 : vector<16xf32>, vector<16xf32>, vector<16xf32>, vector<16xf32>, vector<16xi32>
      }
      %scan3A_147 = arith.constant 256 : i32
      %add3A_148 = arith.constant 2 : i32
      %add3A_149 = arith.addi %mul3A_102, %add3A_148 : i32
      %lt3A = arith.constant 64 : i32
      %lt3A_150 = arith.cmpi slt, %add3A_149, %lt3A : i32
      %convert_element_type3A = arith.extui %lt3A_150 : i1 to i32
      %cond3A = arith.constant 0 : i32
      %cond3A_151 = arith.cmpi ne, %convert_element_type3A, %cond3A : i32
      scf.if %cond3A_151 {
        %add3A_209 = arith.constant 2 : i32
        %add3A_210 = arith.addi %mul3A_102, %add3A_209 : i32
        %mul3A_211 = arith.constant 16384 : i32
        %mul3A_212 = arith.muli %add3A_210, %mul3A_211 : i32
        %add3A_213 = arith.addi %mul3A_2, %mul3A_212 : i32
        %multiple_of3A_214 = tpu.assume_multiple %add3A_213, 16384 : i32
        %mul3A_215 = arith.constant 262144 : i32
        %mul3A_216 = arith.muli %add3A, %mul3A_215 : i32
        %mul3A_217 = arith.constant 4096 : i32
        %mul3A_218 = arith.muli %add3A_210, %mul3A_217 : i32
        %add3A_219 = arith.addi %mul3A_216, %mul3A_218 : i32
        %multiple_of3A_220 = tpu.assume_multiple %add3A_219, 4096 : i32
        %dma_start3A_221 = arith.constant 0 : i32
        %dma_start3A_222 = arith.constant 0 : i32
        %dma_start3A_223 = tpu.memref_slice %arg7[%dma_start3A_221, %dma_start3A_222] : memref<2x16384xf32, #tpu.memory_space<vmem>> -> memref<1x16384xf32, #tpu.memory_space<vmem>>
        %dma_start3A_224 = tpu.memref_squeeze %dma_start3A_223 : memref<1x16384xf32, #tpu.memory_space<vmem>> -> memref<16384xf32, #tpu.memory_space<vmem>>
        %dma_start3A_225 = tpu.memref_slice %arg2[%multiple_of3A_214] : memref<33554432xf32, #tpu.memory_space<hbm>> -> memref<16384xf32, #tpu.memory_space<hbm>>
        %dma_start3A_226 = arith.constant 0 : i32
        %dma_start3A_227 = tpu.memref_slice %arg7[%dma_start3A_221, %dma_start3A_226] : memref<2x16384xf32, #tpu.memory_space<vmem>> -> memref<1x16384xf32, #tpu.memory_space<vmem>>
        %dma_start3A_228 = tpu.memref_squeeze %dma_start3A_227 : memref<1x16384xf32, #tpu.memory_space<vmem>> -> memref<16384xf32, #tpu.memory_space<vmem>>
        %dma_start3A_229 = tpu.memref_slice %arg2[%multiple_of3A_214] : memref<33554432xf32, #tpu.memory_space<hbm>> -> memref<16384xf32, #tpu.memory_space<hbm>>
        tpu.enqueue_dma source(%dma_start3A_229 : memref<16384xf32, #tpu.memory_space<hbm>>) target(%dma_start3A_228 : memref<16384xf32, #tpu.memory_space<vmem>>) target_semaphore(%arg12 : memref<!tpu.dma_semaphore, #tpu.memory_space<semaphore_mem>>)
        %dma_start3A_230 = arith.constant 0 : i32
        %dma_start3A_231 = arith.constant 0 : i32
        %dma_start3A_232 = tpu.memref_slice %arg8[%dma_start3A_230, %dma_start3A_231] : memref<2x16384xf32, #tpu.memory_space<vmem>> -> memref<1x16384xf32, #tpu.memory_space<vmem>>
        %dma_start3A_233 = tpu.memref_squeeze %dma_start3A_232 : memref<1x16384xf32, #tpu.memory_space<vmem>> -> memref<16384xf32, #tpu.memory_space<vmem>>
        %dma_start3A_234 = tpu.memref_slice %arg3[%multiple_of3A_214] : memref<33554432xf32, #tpu.memory_space<hbm>> -> memref<16384xf32, #tpu.memory_space<hbm>>
        %dma_start3A_235 = arith.constant 0 : i32
        %dma_start3A_236 = tpu.memref_slice %arg8[%dma_start3A_230, %dma_start3A_235] : memref<2x16384xf32, #tpu.memory_space<vmem>> -> memref<1x16384xf32, #tpu.memory_space<vmem>>
        %dma_start3A_237 = tpu.memref_squeeze %dma_start3A_236 : memref<1x16384xf32, #tpu.memory_space<vmem>> -> memref<16384xf32, #tpu.memory_space<vmem>>
        %dma_start3A_238 = tpu.memref_slice %arg3[%multiple_of3A_214] : memref<33554432xf32, #tpu.memory_space<hbm>> -> memref<16384xf32, #tpu.memory_space<hbm>>
        tpu.enqueue_dma source(%dma_start3A_238 : memref<16384xf32, #tpu.memory_space<hbm>>) target(%dma_start3A_237 : memref<16384xf32, #tpu.memory_space<vmem>>) target_semaphore(%arg12 : memref<!tpu.dma_semaphore, #tpu.memory_space<semaphore_mem>>)
        %dma_start3A_239 = arith.constant 0 : i32
        %dma_start3A_240 = arith.constant 0 : i32
        %dma_start3A_241 = tpu.memref_slice %arg9[%dma_start3A_239, %dma_start3A_240] : memref<2x4096xi32, #tpu.memory_space<vmem>> -> memref<1x4096xi32, #tpu.memory_space<vmem>>
        %dma_start3A_242 = tpu.memref_squeeze %dma_start3A_241 : memref<1x4096xi32, #tpu.memory_space<vmem>> -> memref<4096xi32, #tpu.memory_space<vmem>>
        %dma_start3A_243 = tpu.memref_slice %arg4[%multiple_of3A_220] : memref<8388608xi32, #tpu.memory_space<hbm>> -> memref<4096xi32, #tpu.memory_space<hbm>>
        %dma_start3A_244 = arith.constant 0 : i32
        %dma_start3A_245 = tpu.memref_slice %arg9[%dma_start3A_239, %dma_start3A_244] : memref<2x4096xi32, #tpu.memory_space<vmem>> -> memref<1x4096xi32, #tpu.memory_space<vmem>>
        %dma_start3A_246 = tpu.memref_squeeze %dma_start3A_245 : memref<1x4096xi32, #tpu.memory_space<vmem>> -> memref<4096xi32, #tpu.memory_space<vmem>>
        %dma_start3A_247 = tpu.memref_slice %arg4[%multiple_of3A_220] : memref<8388608xi32, #tpu.memory_space<hbm>> -> memref<4096xi32, #tpu.memory_space<hbm>>
        tpu.enqueue_dma source(%dma_start3A_247 : memref<4096xi32, #tpu.memory_space<hbm>>) target(%dma_start3A_246 : memref<4096xi32, #tpu.memory_space<vmem>>) target_semaphore(%arg12 : memref<!tpu.dma_semaphore, #tpu.memory_space<semaphore_mem>>)
      } else {
      }
      %mul3A_152 = arith.constant 2 : i32
      %mul3A_153 = arith.muli %mul3A_152, %scan3A_95 : i32
      %add3A_154 = arith.constant 1 : i32
      %add3A_155 = arith.addi %mul3A_153, %add3A_154 : i32
      %mul3A_156 = arith.constant 16384 : i32
      %mul3A_157 = arith.muli %add3A_155, %mul3A_156 : i32
      %add3A_158 = arith.addi %mul3A_2, %mul3A_157 : i32
      %multiple_of3A_159 = tpu.assume_multiple %add3A_158, 16384 : i32
      %mul3A_160 = arith.constant 262144 : i32
      %mul3A_161 = arith.muli %add3A, %mul3A_160 : i32
      %mul3A_162 = arith.constant 4096 : i32
      %mul3A_163 = arith.muli %add3A_155, %mul3A_162 : i32
      %add3A_164 = arith.addi %mul3A_161, %mul3A_163 : i32
      %multiple_of3A_165 = tpu.assume_multiple %add3A_164, 4096 : i32
      %dma_wait3A_166 = arith.constant 1 : i32
      %dma_wait3A_167 = arith.constant 0 : i32
      %dma_wait3A_168 = tpu.memref_slice %arg7[%dma_wait3A_166, %dma_wait3A_167] : memref<2x16384xf32, #tpu.memory_space<vmem>> -> memref<1x16384xf32, #tpu.memory_space<vmem>>
      %dma_wait3A_169 = tpu.memref_squeeze %dma_wait3A_168 : memref<1x16384xf32, #tpu.memory_space<vmem>> -> memref<16384xf32, #tpu.memory_space<vmem>>
      %dma_wait3A_170 = tpu.memref_slice %arg2[%multiple_of3A_159] : memref<33554432xf32, #tpu.memory_space<hbm>> -> memref<16384xf32, #tpu.memory_space<hbm>>
      %dma_wait3A_171 = arith.constant 0 : i32
      %dma_wait3A_172 = tpu.memref_slice %arg7[%dma_wait3A_166, %dma_wait3A_171] : memref<2x16384xf32, #tpu.memory_space<vmem>> -> memref<1x16384xf32, #tpu.memory_space<vmem>>
      %dma_wait3A_173 = tpu.memref_squeeze %dma_wait3A_172 : memref<1x16384xf32, #tpu.memory_space<vmem>> -> memref<16384xf32, #tpu.memory_space<vmem>>
      %dma_wait3A_174 = tpu.memref_slice %arg2[%multiple_of3A_159] : memref<33554432xf32, #tpu.memory_space<hbm>> -> memref<16384xf32, #tpu.memory_space<hbm>>
      tpu.wait_dma2 semaphore(%arg13 : memref<!tpu.dma_semaphore, #tpu.memory_space<semaphore_mem>>) src(%dma_wait3A_174 : memref<16384xf32, #tpu.memory_space<hbm>>) dst(%dma_wait3A_173 : memref<16384xf32, #tpu.memory_space<vmem>>)
      %dma_wait3A_175 = arith.constant 1 : i32
      %dma_wait3A_176 = arith.constant 0 : i32
      %dma_wait3A_177 = tpu.memref_slice %arg8[%dma_wait3A_175, %dma_wait3A_176] : memref<2x16384xf32, #tpu.memory_space<vmem>> -> memref<1x16384xf32, #tpu.memory_space<vmem>>
      %dma_wait3A_178 = tpu.memref_squeeze %dma_wait3A_177 : memref<1x16384xf32, #tpu.memory_space<vmem>> -> memref<16384xf32, #tpu.memory_space<vmem>>
      %dma_wait3A_179 = tpu.memref_slice %arg3[%multiple_of3A_159] : memref<33554432xf32, #tpu.memory_space<hbm>> -> memref<16384xf32, #tpu.memory_space<hbm>>
      %dma_wait3A_180 = arith.constant 0 : i32
      %dma_wait3A_181 = tpu.memref_slice %arg8[%dma_wait3A_175, %dma_wait3A_180] : memref<2x16384xf32, #tpu.memory_space<vmem>> -> memref<1x16384xf32, #tpu.memory_space<vmem>>
      %dma_wait3A_182 = tpu.memref_squeeze %dma_wait3A_181 : memref<1x16384xf32, #tpu.memory_space<vmem>> -> memref<16384xf32, #tpu.memory_space<vmem>>
      %dma_wait3A_183 = tpu.memref_slice %arg3[%multiple_of3A_159] : memref<33554432xf32, #tpu.memory_space<hbm>> -> memref<16384xf32, #tpu.memory_space<hbm>>
      tpu.wait_dma2 semaphore(%arg13 : memref<!tpu.dma_semaphore, #tpu.memory_space<semaphore_mem>>) src(%dma_wait3A_183 : memref<16384xf32, #tpu.memory_space<hbm>>) dst(%dma_wait3A_182 : memref<16384xf32, #tpu.memory_space<vmem>>)
      %dma_wait3A_184 = arith.constant 1 : i32
      %dma_wait3A_185 = arith.constant 0 : i32
      %dma_wait3A_186 = tpu.memref_slice %arg9[%dma_wait3A_184, %dma_wait3A_185] : memref<2x4096xi32, #tpu.memory_space<vmem>> -> memref<1x4096xi32, #tpu.memory_space<vmem>>
      %dma_wait3A_187 = tpu.memref_squeeze %dma_wait3A_186 : memref<1x4096xi32, #tpu.memory_space<vmem>> -> memref<4096xi32, #tpu.memory_space<vmem>>
      %dma_wait3A_188 = tpu.memref_slice %arg4[%multiple_of3A_165] : memref<8388608xi32, #tpu.memory_space<hbm>> -> memref<4096xi32, #tpu.memory_space<hbm>>
      %dma_wait3A_189 = arith.constant 0 : i32
      %dma_wait3A_190 = tpu.memref_slice %arg9[%dma_wait3A_184, %dma_wait3A_189] : memref<2x4096xi32, #tpu.memory_space<vmem>> -> memref<1x4096xi32, #tpu.memory_space<vmem>>
      %dma_wait3A_191 = tpu.memref_squeeze %dma_wait3A_190 : memref<1x4096xi32, #tpu.memory_space<vmem>> -> memref<4096xi32, #tpu.memory_space<vmem>>
      %dma_wait3A_192 = tpu.memref_slice %arg4[%multiple_of3A_165] : memref<8388608xi32, #tpu.memory_space<hbm>> -> memref<4096xi32, #tpu.memory_space<hbm>>
      tpu.wait_dma2 semaphore(%arg13 : memref<!tpu.dma_semaphore, #tpu.memory_space<semaphore_mem>>) src(%dma_wait3A_192 : memref<4096xi32, #tpu.memory_space<hbm>>) dst(%dma_wait3A_191 : memref<4096xi32, #tpu.memory_space<vmem>>)
      %scan3A_193 = arith.constant 1 : i32
      %scan3A_194 = arith.constant 1 : i32
      %scan3A_195 = arith.constant 1 : i32
      %scan3A_196 = arith.constant 0 : i32
      %scan3A_197 = arith.constant 256 : i32
      %scan3A_198 = arith.addi %scan3A_196, %scan3A_197 : i32
      %scan3A_199 = arith.constant 1 : i32
      %scan3A_200:5 = scf.for %scan3A_209 = %scan3A_196 to %scan3A_198 step %scan3A_199 iter_args(%scan3A_210 = %scan3A_146#0, %scan3A_211 = %scan3A_146#1, %scan3A_212 = %scan3A_146#2, %scan3A_213 = %scan3A_146#3, %scan3A_214 = %scan3A_146#4) -> (vector<16xf32>, vector<16xf32>, vector<16xf32>, vector<16xf32>, vector<16xi32>)  : i32 {
        %mul3A_215 = arith.constant 64 : i32
        %mul3A_216 = arith.muli %scan3A_209, %mul3A_215 : i32
        %mul3A_217 = arith.constant 16 : i32
        %mul3A_218 = arith.muli %scan3A_209, %mul3A_217 : i32
        %get3A = arith.constant 0 : i32
        %get3A_219 = tpu.memref_slice %arg9[%scan3A_193, %get3A] : memref<2x4096xi32, #tpu.memory_space<vmem>> -> memref<1x4096xi32, #tpu.memory_space<vmem>>
        %get3A_220 = tpu.memref_squeeze %get3A_219 : memref<1x4096xi32, #tpu.memory_space<vmem>> -> memref<4096xi32, #tpu.memory_space<vmem>>
        %get3A_221 = arith.index_cast %mul3A_218 : i32 to index
        %get3A_222 = tpu.vector_load %get3A_220[%get3A_221] {strides = array<i32>} : memref<4096xi32, #tpu.memory_space<vmem>>, vector<16xi32>,
        %get3A_223 = vector.shape_cast %get3A_222 : vector<16xi32> to vector<16xi32>
        %mul3A_224 = arith.constant 16843009 : i32
        %mul3A_225 = vector.broadcast %mul3A_224 : i32 to vector<16xi32>
        %mul3A_226 = arith.muli %get3A_223, %mul3A_225 : vector<16xi32>
        %shift_right_arithmetic3A_227 = arith.constant 24 : i32
        %shift_right_arithmetic3A_228 = vector.broadcast %shift_right_arithmetic3A_227 : i32 to vector<16xi32>
        %shift_right_arithmetic3A_229 = arith.shrsi %mul3A_226, %shift_right_arithmetic3A_228 : vector<16xi32>
        %add3A_230 = arith.addi %scan3A_214, %shift_right_arithmetic3A_229 : vector<16xi32>
        %add3A_231 = arith.constant 0 : i32
        %add3A_232 = vector.broadcast %add3A_231 : i32 to vector<16xi32>
        %add3A_233 = arith.addi %shift_right_arithmetic3A_4, %add3A_232 : vector<16xi32>
        %broadcast_in_dim3A_234 = vector.shape_cast %add3A_233 : vector<16xi32> to vector<16x1xi32>
        %gather3A = vector.shape_cast %broadcast_in_dim3A_234 : vector<16x1xi32> to vector<16xi32>
        %gather3A_235 = tpu.dynamic_gather %get3A_223[%gather3A] in [0] : vector<16xi32>, vector<16xi32> -> vector<16xi32>
        %shift_right_arithmetic3A_236 = arith.shrsi %gather3A_235, %shift_left3A_8 : vector<16xi32>
        %and3A_237 = arith.constant 1 : i32
        %and3A_238 = vector.broadcast %and3A_237 : i32 to vector<16xi32>
        %and3A_239 = arith.andi %shift_right_arithmetic3A_236, %and3A_238 : vector<16xi32>
        %eq3A = arith.constant 0 : i32
        %eq3A_240 = vector.broadcast %eq3A : i32 to vector<16xi32>
        %eq3A_241 = arith.cmpi eq, %and3A_239, %eq3A_240 : vector<16xi32>
        %add3A_242 = arith.constant 0 : i32
        %add3A_243 = arith.addi %mul3A_216, %add3A_242 : i32
        %get3A_244 = arith.constant 0 : i32
        %get3A_245 = tpu.memref_slice %arg7[%scan3A_194, %get3A_244] : memref<2x16384xf32, #tpu.memory_space<vmem>> -> memref<1x16384xf32, #tpu.memory_space<vmem>>
        %get3A_246 = tpu.memref_squeeze %get3A_245 : memref<1x16384xf32, #tpu.memory_space<vmem>> -> memref<16384xf32, #tpu.memory_space<vmem>>
        %get3A_247 = arith.index_cast %add3A_243 : i32 to index
        %get3A_248 = tpu.vector_load %get3A_246[%get3A_247] {strides = array<i32>} : memref<16384xf32, #tpu.memory_space<vmem>>, vector<16xf32>,
        %get3A_249 = vector.shape_cast %get3A_248 : vector<16xf32> to vector<16xf32>
        %add3A_250 = arith.constant 0 : i32
        %add3A_251 = arith.addi %mul3A_216, %add3A_250 : i32
        %get3A_252 = arith.constant 0 : i32
        %get3A_253 = tpu.memref_slice %arg8[%scan3A_195, %get3A_252] : memref<2x16384xf32, #tpu.memory_space<vmem>> -> memref<1x16384xf32, #tpu.memory_space<vmem>>
        %get3A_254 = tpu.memref_squeeze %get3A_253 : memref<1x16384xf32, #tpu.memory_space<vmem>> -> memref<16384xf32, #tpu.memory_space<vmem>>
        %get3A_255 = arith.index_cast %add3A_251 : i32 to index
        %get3A_256 = tpu.vector_load %get3A_254[%get3A_255] {strides = array<i32>} : memref<16384xf32, #tpu.memory_space<vmem>>, vector<16xf32>,
        %get3A_257 = vector.shape_cast %get3A_256 : vector<16xf32> to vector<16xf32>
        %sub3A = arith.subf %get3A_249, %get3A_257 : vector<16xf32>
        %jit3A = arith.constant 0.000000e+00 : f32
        %broadcast_in_dim3A_258 = vector.broadcast %jit3A : f32 to vector<16xf32>
        %select_n3A = arith.select %eq3A_241, %sub3A, %broadcast_in_dim3A_258 : vector<16xi1>, vector<16xf32>
        %mul3A_259 = arith.mulf %select_n3A, %select_n3A : vector<16xf32>
        %add3A_260 = arith.addf %scan3A_210, %mul3A_259 : vector<16xf32>
        %add3A_261 = arith.constant 4 : i32
        %add3A_262 = vector.broadcast %add3A_261 : i32 to vector<16xi32>
        %add3A_263 = arith.addi %shift_right_arithmetic3A_4, %add3A_262 : vector<16xi32>
        %broadcast_in_dim3A_264 = vector.shape_cast %add3A_263 : vector<16xi32> to vector<16x1xi32>
        %gather3A_265 = vector.shape_cast %broadcast_in_dim3A_264 : vector<16x1xi32> to vector<16xi32>
        %gather3A_266 = tpu.dynamic_gather %get3A_223[%gather3A_265] in [0] : vector<16xi32>, vector<16xi32> -> vector<16xi32>
        %shift_right_arithmetic3A_267 = arith.shrsi %gather3A_266, %shift_left3A_8 : vector<16xi32>
        %and3A_268 = arith.constant 1 : i32
        %and3A_269 = vector.broadcast %and3A_268 : i32 to vector<16xi32>
        %and3A_270 = arith.andi %shift_right_arithmetic3A_267, %and3A_269 : vector<16xi32>
        %eq3A_271 = arith.constant 0 : i32
        %eq3A_272 = vector.broadcast %eq3A_271 : i32 to vector<16xi32>
        %eq3A_273 = arith.cmpi eq, %and3A_270, %eq3A_272 : vector<16xi32>
        %add3A_274 = arith.constant 16 : i32
        %add3A_275 = arith.addi %mul3A_216, %add3A_274 : i32
        %get3A_276 = arith.constant 0 : i32
        %get3A_277 = tpu.memref_slice %arg7[%scan3A_194, %get3A_276] : memref<2x16384xf32, #tpu.memory_space<vmem>> -> memref<1x16384xf32, #tpu.memory_space<vmem>>
        %get3A_278 = tpu.memref_squeeze %get3A_277 : memref<1x16384xf32, #tpu.memory_space<vmem>> -> memref<16384xf32, #tpu.memory_space<vmem>>
        %get3A_279 = arith.index_cast %add3A_275 : i32 to index
        %get3A_280 = tpu.vector_load %get3A_278[%get3A_279] {strides = array<i32>} : memref<16384xf32, #tpu.memory_space<vmem>>, vector<16xf32>,
        %get3A_281 = vector.shape_cast %get3A_280 : vector<16xf32> to vector<16xf32>
        %add3A_282 = arith.constant 16 : i32
        %add3A_283 = arith.addi %mul3A_216, %add3A_282 : i32
        %get3A_284 = arith.constant 0 : i32
        %get3A_285 = tpu.memref_slice %arg8[%scan3A_195, %get3A_284] : memref<2x16384xf32, #tpu.memory_space<vmem>> -> memref<1x16384xf32, #tpu.memory_space<vmem>>
        %get3A_286 = tpu.memref_squeeze %get3A_285 : memref<1x16384xf32, #tpu.memory_space<vmem>> -> memref<16384xf32, #tpu.memory_space<vmem>>
        %get3A_287 = arith.index_cast %add3A_283 : i32 to index
        %get3A_288 = tpu.vector_load %get3A_286[%get3A_287] {strides = array<i32>} : memref<16384xf32, #tpu.memory_space<vmem>>, vector<16xf32>,
        %get3A_289 = vector.shape_cast %get3A_288 : vector<16xf32> to vector<16xf32>
        %sub3A_290 = arith.subf %get3A_281, %get3A_289 : vector<16xf32>
        %jit3A_291 = arith.constant 0.000000e+00 : f32
        %broadcast_in_dim3A_292 = vector.broadcast %jit3A_291 : f32 to vector<16xf32>
        %select_n3A_293 = arith.select %eq3A_273, %sub3A_290, %broadcast_in_dim3A_292 : vector<16xi1>, vector<16xf32>
        %mul3A_294 = arith.mulf %select_n3A_293, %select_n3A_293 : vector<16xf32>
        %add3A_295 = arith.addf %scan3A_211, %mul3A_294 : vector<16xf32>
        %add3A_296 = arith.constant 8 : i32
        %add3A_297 = vector.broadcast %add3A_296 : i32 to vector<16xi32>
        %add3A_298 = arith.addi %shift_right_arithmetic3A_4, %add3A_297 : vector<16xi32>
        %broadcast_in_dim3A_299 = vector.shape_cast %add3A_298 : vector<16xi32> to vector<16x1xi32>
        %gather3A_300 = vector.shape_cast %broadcast_in_dim3A_299 : vector<16x1xi32> to vector<16xi32>
        %gather3A_301 = tpu.dynamic_gather %get3A_223[%gather3A_300] in [0] : vector<16xi32>, vector<16xi32> -> vector<16xi32>
        %shift_right_arithmetic3A_302 = arith.shrsi %gather3A_301, %shift_left3A_8 : vector<16xi32>
        %and3A_303 = arith.constant 1 : i32
        %and3A_304 = vector.broadcast %and3A_303 : i32 to vector<16xi32>
        %and3A_305 = arith.andi %shift_right_arithmetic3A_302, %and3A_304 : vector<16xi32>
        %eq3A_306 = arith.constant 0 : i32
        %eq3A_307 = vector.broadcast %eq3A_306 : i32 to vector<16xi32>
        %eq3A_308 = arith.cmpi eq, %and3A_305, %eq3A_307 : vector<16xi32>
        %add3A_309 = arith.constant 32 : i32
        %add3A_310 = arith.addi %mul3A_216, %add3A_309 : i32
        %get3A_311 = arith.constant 0 : i32
        %get3A_312 = tpu.memref_slice %arg7[%scan3A_194, %get3A_311] : memref<2x16384xf32, #tpu.memory_space<vmem>> -> memref<1x16384xf32, #tpu.memory_space<vmem>>
        %get3A_313 = tpu.memref_squeeze %get3A_312 : memref<1x16384xf32, #tpu.memory_space<vmem>> -> memref<16384xf32, #tpu.memory_space<vmem>>
        %get3A_314 = arith.index_cast %add3A_310 : i32 to index
        %get3A_315 = tpu.vector_load %get3A_313[%get3A_314] {strides = array<i32>} : memref<16384xf32, #tpu.memory_space<vmem>>, vector<16xf32>,
        %get3A_316 = vector.shape_cast %get3A_315 : vector<16xf32> to vector<16xf32>
        %add3A_317 = arith.constant 32 : i32
        %add3A_318 = arith.addi %mul3A_216, %add3A_317 : i32
        %get3A_319 = arith.constant 0 : i32
        %get3A_320 = tpu.memref_slice %arg8[%scan3A_195, %get3A_319] : memref<2x16384xf32, #tpu.memory_space<vmem>> -> memref<1x16384xf32, #tpu.memory_space<vmem>>
        %get3A_321 = tpu.memref_squeeze %get3A_320 : memref<1x16384xf32, #tpu.memory_space<vmem>> -> memref<16384xf32, #tpu.memory_space<vmem>>
        %get3A_322 = arith.index_cast %add3A_318 : i32 to index
        %get3A_323 = tpu.vector_load %get3A_321[%get3A_322] {strides = array<i32>} : memref<16384xf32, #tpu.memory_space<vmem>>, vector<16xf32>,
        %get3A_324 = vector.shape_cast %get3A_323 : vector<16xf32> to vector<16xf32>
        %sub3A_325 = arith.subf %get3A_316, %get3A_324 : vector<16xf32>
        %jit3A_326 = arith.constant 0.000000e+00 : f32
        %broadcast_in_dim3A_327 = vector.broadcast %jit3A_326 : f32 to vector<16xf32>
        %select_n3A_328 = arith.select %eq3A_308, %sub3A_325, %broadcast_in_dim3A_327 : vector<16xi1>, vector<16xf32>
        %mul3A_329 = arith.mulf %select_n3A_328, %select_n3A_328 : vector<16xf32>
        %add3A_330 = arith.addf %scan3A_212, %mul3A_329 : vector<16xf32>
        %add3A_331 = arith.constant 12 : i32
        %add3A_332 = vector.broadcast %add3A_331 : i32 to vector<16xi32>
        %add3A_333 = arith.addi %shift_right_arithmetic3A_4, %add3A_332 : vector<16xi32>
        %broadcast_in_dim3A_334 = vector.shape_cast %add3A_333 : vector<16xi32> to vector<16x1xi32>
        %gather3A_335 = vector.shape_cast %broadcast_in_dim3A_334 : vector<16x1xi32> to vector<16xi32>
        %gather3A_336 = tpu.dynamic_gather %get3A_223[%gather3A_335] in [0] : vector<16xi32>, vector<16xi32> -> vector<16xi32>
        %shift_right_arithmetic3A_337 = arith.shrsi %gather3A_336, %shift_left3A_8 : vector<16xi32>
        %and3A_338 = arith.constant 1 : i32
        %and3A_339 = vector.broadcast %and3A_338 : i32 to vector<16xi32>
        %and3A_340 = arith.andi %shift_right_arithmetic3A_337, %and3A_339 : vector<16xi32>
        %eq3A_341 = arith.constant 0 : i32
        %eq3A_342 = vector.broadcast %eq3A_341 : i32 to vector<16xi32>
        %eq3A_343 = arith.cmpi eq, %and3A_340, %eq3A_342 : vector<16xi32>
        %add3A_344 = arith.constant 48 : i32
        %add3A_345 = arith.addi %mul3A_216, %add3A_344 : i32
        %get3A_346 = arith.constant 0 : i32
        %get3A_347 = tpu.memref_slice %arg7[%scan3A_194, %get3A_346] : memref<2x16384xf32, #tpu.memory_space<vmem>> -> memref<1x16384xf32, #tpu.memory_space<vmem>>
        %get3A_348 = tpu.memref_squeeze %get3A_347 : memref<1x16384xf32, #tpu.memory_space<vmem>> -> memref<16384xf32, #tpu.memory_space<vmem>>
        %get3A_349 = arith.index_cast %add3A_345 : i32 to index
        %get3A_350 = tpu.vector_load %get3A_348[%get3A_349] {strides = array<i32>} : memref<16384xf32, #tpu.memory_space<vmem>>, vector<16xf32>,
        %get3A_351 = vector.shape_cast %get3A_350 : vector<16xf32> to vector<16xf32>
        %add3A_352 = arith.constant 48 : i32
        %add3A_353 = arith.addi %mul3A_216, %add3A_352 : i32
        %get3A_354 = arith.constant 0 : i32
        %get3A_355 = tpu.memref_slice %arg8[%scan3A_195, %get3A_354] : memref<2x16384xf32, #tpu.memory_space<vmem>> -> memref<1x16384xf32, #tpu.memory_space<vmem>>
        %get3A_356 = tpu.memref_squeeze %get3A_355 : memref<1x16384xf32, #tpu.memory_space<vmem>> -> memref<16384xf32, #tpu.memory_space<vmem>>
        %get3A_357 = arith.index_cast %add3A_353 : i32 to index
        %get3A_358 = tpu.vector_load %get3A_356[%get3A_357] {strides = array<i32>} : memref<16384xf32, #tpu.memory_space<vmem>>, vector<16xf32>,
        %get3A_359 = vector.shape_cast %get3A_358 : vector<16xf32> to vector<16xf32>
        %sub3A_360 = arith.subf %get3A_351, %get3A_359 : vector<16xf32>
        %jit3A_361 = arith.constant 0.000000e+00 : f32
        %broadcast_in_dim3A_362 = vector.broadcast %jit3A_361 : f32 to vector<16xf32>
        %select_n3A_363 = arith.select %eq3A_343, %sub3A_360, %broadcast_in_dim3A_362 : vector<16xi1>, vector<16xf32>
        %mul3A_364 = arith.mulf %select_n3A_363, %select_n3A_363 : vector<16xf32>
        %add3A_365 = arith.addf %scan3A_213, %mul3A_364 : vector<16xf32>
        scf.yield %add3A_260, %add3A_295, %add3A_330, %add3A_365, %add3A_230 : vector<16xf32>, vector<16xf32>, vector<16xf32>, vector<16xf32>, vector<16xi32>
      }
      %scan3A_201 = arith.constant 256 : i32
      %add3A_202 = arith.constant 2 : i32
      %add3A_203 = arith.addi %add3A_155, %add3A_202 : i32
      %lt3A_204 = arith.constant 64 : i32
      %lt3A_205 = arith.cmpi slt, %add3A_203, %lt3A_204 : i32
      %convert_element_type3A_206 = arith.extui %lt3A_205 : i1 to i32
      %cond3A_207 = arith.constant 0 : i32
      %cond3A_208 = arith.cmpi ne, %convert_element_type3A_206, %cond3A_207 : i32
      scf.if %cond3A_208 {
        %add3A_209 = arith.constant 2 : i32
        %add3A_210 = arith.addi %add3A_155, %add3A_209 : i32
        %mul3A_211 = arith.constant 16384 : i32
        %mul3A_212 = arith.muli %add3A_210, %mul3A_211 : i32
        %add3A_213 = arith.addi %mul3A_2, %mul3A_212 : i32
        %multiple_of3A_214 = tpu.assume_multiple %add3A_213, 16384 : i32
        %mul3A_215 = arith.constant 262144 : i32
        %mul3A_216 = arith.muli %add3A, %mul3A_215 : i32
        %mul3A_217 = arith.constant 4096 : i32
        %mul3A_218 = arith.muli %add3A_210, %mul3A_217 : i32
        %add3A_219 = arith.addi %mul3A_216, %mul3A_218 : i32
        %multiple_of3A_220 = tpu.assume_multiple %add3A_219, 4096 : i32
        %dma_start3A_221 = arith.constant 1 : i32
        %dma_start3A_222 = arith.constant 0 : i32
        %dma_start3A_223 = tpu.memref_slice %arg7[%dma_start3A_221, %dma_start3A_222] : memref<2x16384xf32, #tpu.memory_space<vmem>> -> memref<1x16384xf32, #tpu.memory_space<vmem>>
        %dma_start3A_224 = tpu.memref_squeeze %dma_start3A_223 : memref<1x16384xf32, #tpu.memory_space<vmem>> -> memref<16384xf32, #tpu.memory_space<vmem>>
        %dma_start3A_225 = tpu.memref_slice %arg2[%multiple_of3A_214] : memref<33554432xf32, #tpu.memory_space<hbm>> -> memref<16384xf32, #tpu.memory_space<hbm>>
        %dma_start3A_226 = arith.constant 0 : i32
        %dma_start3A_227 = tpu.memref_slice %arg7[%dma_start3A_221, %dma_start3A_226] : memref<2x16384xf32, #tpu.memory_space<vmem>> -> memref<1x16384xf32, #tpu.memory_space<vmem>>
        %dma_start3A_228 = tpu.memref_squeeze %dma_start3A_227 : memref<1x16384xf32, #tpu.memory_space<vmem>> -> memref<16384xf32, #tpu.memory_space<vmem>>
        %dma_start3A_229 = tpu.memref_slice %arg2[%multiple_of3A_214] : memref<33554432xf32, #tpu.memory_space<hbm>> -> memref<16384xf32, #tpu.memory_space<hbm>>
        tpu.enqueue_dma source(%dma_start3A_229 : memref<16384xf32, #tpu.memory_space<hbm>>) target(%dma_start3A_228 : memref<16384xf32, #tpu.memory_space<vmem>>) target_semaphore(%arg13 : memref<!tpu.dma_semaphore, #tpu.memory_space<semaphore_mem>>)
        %dma_start3A_230 = arith.constant 1 : i32
        %dma_start3A_231 = arith.constant 0 : i32
        %dma_start3A_232 = tpu.memref_slice %arg8[%dma_start3A_230, %dma_start3A_231] : memref<2x16384xf32, #tpu.memory_space<vmem>> -> memref<1x16384xf32, #tpu.memory_space<vmem>>
        %dma_start3A_233 = tpu.memref_squeeze %dma_start3A_232 : memref<1x16384xf32, #tpu.memory_space<vmem>> -> memref<16384xf32, #tpu.memory_space<vmem>>
        %dma_start3A_234 = tpu.memref_slice %arg3[%multiple_of3A_214] : memref<33554432xf32, #tpu.memory_space<hbm>> -> memref<16384xf32, #tpu.memory_space<hbm>>
        %dma_start3A_235 = arith.constant 0 : i32
        %dma_start3A_236 = tpu.memref_slice %arg8[%dma_start3A_230, %dma_start3A_235] : memref<2x16384xf32, #tpu.memory_space<vmem>> -> memref<1x16384xf32, #tpu.memory_space<vmem>>
        %dma_start3A_237 = tpu.memref_squeeze %dma_start3A_236 : memref<1x16384xf32, #tpu.memory_space<vmem>> -> memref<16384xf32, #tpu.memory_space<vmem>>
        %dma_start3A_238 = tpu.memref_slice %arg3[%multiple_of3A_214] : memref<33554432xf32, #tpu.memory_space<hbm>> -> memref<16384xf32, #tpu.memory_space<hbm>>
        tpu.enqueue_dma source(%dma_start3A_238 : memref<16384xf32, #tpu.memory_space<hbm>>) target(%dma_start3A_237 : memref<16384xf32, #tpu.memory_space<vmem>>) target_semaphore(%arg13 : memref<!tpu.dma_semaphore, #tpu.memory_space<semaphore_mem>>)
        %dma_start3A_239 = arith.constant 1 : i32
        %dma_start3A_240 = arith.constant 0 : i32
        %dma_start3A_241 = tpu.memref_slice %arg9[%dma_start3A_239, %dma_start3A_240] : memref<2x4096xi32, #tpu.memory_space<vmem>> -> memref<1x4096xi32, #tpu.memory_space<vmem>>
        %dma_start3A_242 = tpu.memref_squeeze %dma_start3A_241 : memref<1x4096xi32, #tpu.memory_space<vmem>> -> memref<4096xi32, #tpu.memory_space<vmem>>
        %dma_start3A_243 = tpu.memref_slice %arg4[%multiple_of3A_220] : memref<8388608xi32, #tpu.memory_space<hbm>> -> memref<4096xi32, #tpu.memory_space<hbm>>
        %dma_start3A_244 = arith.constant 0 : i32
        %dma_start3A_245 = tpu.memref_slice %arg9[%dma_start3A_239, %dma_start3A_244] : memref<2x4096xi32, #tpu.memory_space<vmem>> -> memref<1x4096xi32, #tpu.memory_space<vmem>>
        %dma_start3A_246 = tpu.memref_squeeze %dma_start3A_245 : memref<1x4096xi32, #tpu.memory_space<vmem>> -> memref<4096xi32, #tpu.memory_space<vmem>>
        %dma_start3A_247 = tpu.memref_slice %arg4[%multiple_of3A_220] : memref<8388608xi32, #tpu.memory_space<hbm>> -> memref<4096xi32, #tpu.memory_space<hbm>>
        tpu.enqueue_dma source(%dma_start3A_247 : memref<4096xi32, #tpu.memory_space<hbm>>) target(%dma_start3A_246 : memref<4096xi32, #tpu.memory_space<vmem>>) target_semaphore(%arg13 : memref<!tpu.dma_semaphore, #tpu.memory_space<semaphore_mem>>)
      } else {
      }
      scf.yield %scan3A_200#0, %scan3A_200#1, %scan3A_200#2, %scan3A_200#3, %scan3A_200#4 : vector<16xf32>, vector<16xf32>, vector<16xf32>, vector<16xf32>, vector<16xi32>
    }
    %scan3A_84 = arith.constant 32 : i32
    %add3A_85 = arith.addf %scan3A_83#0, %scan3A_83#1 : vector<16xf32>
    %add3A_86 = arith.addf %scan3A_83#2, %scan3A_83#3 : vector<16xf32>
    %add3A_87 = arith.addf %add3A_85, %add3A_86 : vector<16xf32>
    %swap3A = arith.constant 0 : index
    %swap3A_88 = tpu.vector_load %arg10[%swap3A] {strides = array<i32>} : memref<16xf32, #tpu.memory_space<vmem>>, vector<16xf32>,
    %swap3A_89 = vector.shape_cast %swap3A_88 : vector<16xf32> to vector<16xf32>
    %swap3A_90 = vector.shape_cast %add3A_87 : vector<16xf32> to vector<16xf32>
    tpu.vector_store %arg10[%swap3A], %swap3A_90 {strides = array<i32>} : memref<16xf32, #tpu.memory_space<vmem>>, vector<16xf32>,
    %swap3A_91 = arith.constant 0 : index
    %swap3A_92 = tpu.vector_load %arg11[%swap3A_91] {strides = array<i32>} : memref<16xi32, #tpu.memory_space<vmem>>, vector<16xi32>,
    %swap3A_93 = vector.shape_cast %swap3A_92 : vector<16xi32> to vector<16xi32>
    %swap3A_94 = vector.shape_cast %scan3A_83#4 : vector<16xi32> to vector<16xi32>
    tpu.vector_store %arg11[%swap3A_91], %swap3A_94 {strides = array<i32>} : memref<16xi32, #tpu.memory_space<vmem>>, vector<16xi32>,
    "tpu.region"() ({
      %run_scoped3A = tpu.sem_alloc : memref<!tpu.dma_semaphore, #tpu.memory_space<semaphore_mem>>
      %dma_start3A_95 = arith.constant 0 : i32
      %dma_start3A_96 = tpu.memref_slice %arg5[%add3A, %dma_start3A_95] : memref<32x16xf32, #tpu.memory_space<hbm>> -> memref<1x16xf32, #tpu.memory_space<hbm>>
      %dma_start3A_97 = tpu.memref_squeeze %dma_start3A_96 : memref<1x16xf32, #tpu.memory_space<hbm>> -> memref<16xf32, #tpu.memory_space<hbm>>
      %dma_start3A_98 = arith.constant 0 : i32
      %dma_start3A_99 = tpu.memref_slice %arg5[%add3A, %dma_start3A_98] : memref<32x16xf32, #tpu.memory_space<hbm>> -> memref<1x16xf32, #tpu.memory_space<hbm>>
      %dma_start3A_100 = tpu.memref_squeeze %dma_start3A_99 : memref<1x16xf32, #tpu.memory_space<hbm>> -> memref<16xf32, #tpu.memory_space<hbm>>
      tpu.enqueue_dma source(%arg10 : memref<16xf32, #tpu.memory_space<vmem>>) target(%dma_start3A_100 : memref<16xf32, #tpu.memory_space<hbm>>) target_semaphore(%run_scoped3A : memref<!tpu.dma_semaphore, #tpu.memory_space<semaphore_mem>>)
      %dma_wait3A = arith.constant 0 : i32
      %dma_wait3A_101 = tpu.memref_slice %arg5[%add3A, %dma_wait3A] : memref<32x16xf32, #tpu.memory_space<hbm>> -> memref<1x16xf32, #tpu.memory_space<hbm>>
      %dma_wait3A_102 = tpu.memref_squeeze %dma_wait3A_101 : memref<1x16xf32, #tpu.memory_space<hbm>> -> memref<16xf32, #tpu.memory_space<hbm>>
      %dma_wait3A_103 = arith.constant 0 : i32
      %dma_wait3A_104 = tpu.memref_slice %arg5[%add3A, %dma_wait3A_103] : memref<32x16xf32, #tpu.memory_space<hbm>> -> memref<1x16xf32, #tpu.memory_space<hbm>>
      %dma_wait3A_105 = tpu.memref_squeeze %dma_wait3A_104 : memref<1x16xf32, #tpu.memory_space<hbm>> -> memref<16xf32, #tpu.memory_space<hbm>>
      tpu.wait_dma2 semaphore(%run_scoped3A : memref<!tpu.dma_semaphore, #tpu.memory_space<semaphore_mem>>) src(%arg10 : memref<16xf32, #tpu.memory_space<vmem>>) dst(%dma_wait3A_105 : memref<16xf32, #tpu.memory_space<hbm>>)
      tpu.yield
    }) : () -> ()
    "tpu.region"() ({
      %run_scoped3A = tpu.sem_alloc : memref<!tpu.dma_semaphore, #tpu.memory_space<semaphore_mem>>
      %dma_start3A_95 = arith.constant 0 : i32
      %dma_start3A_96 = tpu.memref_slice %arg6[%add3A, %dma_start3A_95] : memref<32x16xi32, #tpu.memory_space<hbm>> -> memref<1x16xi32, #tpu.memory_space<hbm>>
      %dma_start3A_97 = tpu.memref_squeeze %dma_start3A_96 : memref<1x16xi32, #tpu.memory_space<hbm>> -> memref<16xi32, #tpu.memory_space<hbm>>
      %dma_start3A_98 = arith.constant 0 : i32
      %dma_start3A_99 = tpu.memref_slice %arg6[%add3A, %dma_start3A_98] : memref<32x16xi32, #tpu.memory_space<hbm>> -> memref<1x16xi32, #tpu.memory_space<hbm>>
      %dma_start3A_100 = tpu.memref_squeeze %dma_start3A_99 : memref<1x16xi32, #tpu.memory_space<hbm>> -> memref<16xi32, #tpu.memory_space<hbm>>
      tpu.enqueue_dma source(%arg11 : memref<16xi32, #tpu.memory_space<vmem>>) target(%dma_start3A_100 : memref<16xi32, #tpu.memory_space<hbm>>) target_semaphore(%run_scoped3A : memref<!tpu.dma_semaphore, #tpu.memory_space<semaphore_mem>>)
      %dma_wait3A = arith.constant 0 : i32
      %dma_wait3A_101 = tpu.memref_slice %arg6[%add3A, %dma_wait3A] : memref<32x16xi32, #tpu.memory_space<hbm>> -> memref<1x16xi32, #tpu.memory_space<hbm>>
      %dma_wait3A_102 = tpu.memref_squeeze %dma_wait3A_101 : memref<1x16xi32, #tpu.memory_space<hbm>> -> memref<16xi32, #tpu.memory_space<hbm>>
      %dma_wait3A_103 = arith.constant 0 : i32
      %dma_wait3A_104 = tpu.memref_slice %arg6[%add3A, %dma_wait3A_103] : memref<32x16xi32, #tpu.memory_space<hbm>> -> memref<1x16xi32, #tpu.memory_space<hbm>>
      %dma_wait3A_105 = tpu.memref_squeeze %dma_wait3A_104 : memref<1x16xi32, #tpu.memory_space<hbm>> -> memref<16xi32, #tpu.memory_space<hbm>>
      tpu.wait_dma2 semaphore(%run_scoped3A : memref<!tpu.dma_semaphore, #tpu.memory_space<semaphore_mem>>) src(%arg11 : memref<16xi32, #tpu.memory_space<vmem>>) dst(%dma_wait3A_105 : memref<16xi32, #tpu.memory_space<hbm>>)
      tpu.yield
    }) : () -> ()
    return
  }
}

</mosaic_0001>

<sc_bundles>
// kernel: kernel.3.cloned.1.call-start
scs
__scs_entry_jumppad:
0x0: {  	(pc) =	sbr.rel $0x88, $3  }
0x1: {  	(tag) =	ssettag $0x0;
	lr =	simm.s32 $0x1  }
0x2: {  	[smem:$0x3F9E] =	sst lr;
	_ =	strace $0xD0000000  }
0x3: {  	_ = 	snop  }
0x4: {  	_ = 	snop  }
0x5: {  	_ = 	snop  }
0x6: {  	_ = 	snop  }
0x7: {  	_ = 	snop  }
__scs_overlays_trampoline_lowered:
0x8: {  	[smem:$0x3FAD] =	sst s0  }
0x9: {  	[smem:$0x3FAE] =	sst s1  }
0xa: {  	[smem:$0x3FAF] =	sst s2  }
0xb: {  	[smem:$0x3FB0] =	sst s3  }
0xc: {  	[smem:$0x3FB1] =	sst s4  }
0xd: {  	[smem:$0x3FB2] =	sst s5  }
0xe: {  	[smem:$0x3FB3] =	sst s6  }
0xf: {  	[smem:$0x3FB4] =	sst s7  }
0x10: {  	[smem:$0x3FB5] =	sst s8  }
0x11: {  	[smem:$0x3FB6] =	sst s9;
	s0 =	simm.s32 @!p0 $0x0  }
0x12: {  	s1 =	sld [smem:$0x3F9C];
	s0 =	simm.s32 @p0 $0x1  }
0x13: {  	[smem:$0x3FB7] =	sst s0;
	s0 =	simm.s32 @!p1 $0x0  }
0x14: {  	s2 =	sld [smem:$0x3F9B];
	s0 =	simm.s32 @p1 $0x1  }
0x15: {  	[smem:$0x3FB8] =	sst s0;
	s0 =	simm.s32 @!p2 $0x0  }
0x16: {  	s3 =	sld [smem:$0x3FDB];
	s0 =	simm.s32 @p2 $0x1  }
0x17: {  	s4 =	simm.s32 $0x1BF5;
	[smem:$0x3FBA] =	sst s0  }
0x18: {  	s0 =	sld [smem:$0x3F9D];
	_ =	swait.ge [sflag:s4], $0x0  }
0x19: {  	s7 =	sld [smem:$0x3F9E]  }
0x1a: {  	s8 =	sadd.s32 $0xFFFFE003, lr  }
0x1b: {  	s9 =	sadd.s32 $0xFFFFFEF7, lr;
	s5 =	simm.s32 $0xFFFFFFFF;
	p2 =	slt.u32 s8, $0xFFFFF086  }
0x1c: {  	p1 =	slt.u32 s9, $0xF7A;
	s5 =	simm.s32 @!p2 $0x0  }
0x1d: {  	s5 =	simm.s32 @p1 $0x1;
	p0 =	seq.s32 s7, s2  }
0x1e: {  	s7 =	smul.u32 @!p0 $0xF7A, s2;
	p2 =	seq.s32 @!p0 s5, $0x0  }
0x1f: {  	s9 =	smul.u32 $0xF7A, s1;
	s8 =	simm.s32 @!p0 $0x1BF5;
	p2 =	por !p2, p0  }
0x20: {  	[sflag:s8] =	ssyncset.s32 @!p0 $0xFFFFF086;
	s6 =	sadd.s32 @!p0 s3, s7;
	s7 =	simm.s32 @!p0 $0x108  }
0x21: {  	s3 =	sadd.s32 s3, s9;
	s6 =	sadd.s32 @!p0 $0x88, s6;
	s7 =	simm.s32 @p2 $0x1082  }
0x22: {  	[simem:s7], [sflag:s8] =	dma.local @!p0 [hbm:s6], $0xF7A  }
0x23: {  	s9 =	sor.u32 $0xD0000000, s2;
	s6 =	simm.s32 $0x108;
	_ =	swait.ge @!p0 [sflag:s8], $0x0  }
0x24: {  	s3 =	sadd.s32 $0x88, s3;
	s6 =	simm.s32 @!p1 $0x1082;
	[sflag:s4] =	ssyncset.s32 $0xFFFFF086  }
0x25: {  	[simem:s6], [sflag:s4] =	dma.local [hbm:s3], $0xF7A  }
0x26: {  	[smem:$0x3F9E] =	sst s1;
	(tag) =	ssettag s2;
	_ =	strace s9  }
0x27: {  	s1 =	sld [smem:$0x3FAE]  }
0x28: {  	s2 =	sld [smem:$0x3FAF]  }
0x29: {  	s4 =	sld [smem:$0x3FB1]  }
0x2a: {  	p0 =	seq.s32 s5, $0x0;
	s5 =	sld [smem:$0x3FB2]  }
0x2b: {  	s6 =	sld [smem:$0x3FB3]  }
0x2c: {  	s7 =	sld [smem:$0x3FB4]  }
0x2d: {  	s3 =	simm.s32 $0x108;
	s8 =	sld [smem:$0x3FB5]  }
0x2e: {  	s3 =	simm.s32 @!p0 $0x1082;
	s9 =	sld [smem:$0x3FB6]  }
0x2f: {  	lr =	sadd.s32 s0, s3;
	s0 =	sld [smem:$0x3FAD]  }
0x30: {  	s3 =	sld [smem:$0x3FB0]  }
0x31: {  	[smem:$0x3FB9] =	sst s10  }
0x32: {  	s10 =	sld [smem:$0x3FB7];
	_ =	sdelay $0x3  }
0x33: {  	p0 =	seq.s32 s10, $0x1;
	s10 =	sld [smem:$0x3FB9];
	_ =	sdelay $0x3  }
0x34: {  	[smem:$0x3FB9] =	sst s10  }
0x35: {  	s10 =	sld [smem:$0x3FB8];
	_ =	sdelay $0x3  }
0x36: {  	p1 =	seq.s32 s10, $0x1;
	s10 =	sld [smem:$0x3FB9];
	_ =	sdelay $0x3  }
0x37: {  	[smem:$0x3FB9] =	sst s10  }
0x38: {  	s10 =	sld [smem:$0x3FBA]  }
0x39: {  	_ = 	snop;
	(pc) =	sbr.ind lr, $3  }
0x3a: {  	_ = 	snop  }
0x3b: {  	_ = 	snop  }
0x3c: {  	p2 =	seq.s32 s10, $0x1;
	s10 =	sld [smem:$0x3FB9]  }
0x3d: {  	_ =	shalt  }
0x3e: {  	_ =	shalt  }
0x3f: {  	_ =	shalt  }
0x40: {  	_ =	shalt  }
0x41: {  	_ =	shalt  }
0x42: {  	_ =	shalt  }
0x43: {  	_ =	shalt  }
0x44: {  	_ =	shalt  }
0x45: {  	_ =	shalt  }
0x46: {  	_ =	shalt  }
0x47: {  	_ =	shalt  }
0x48: {  	_ =	shalt  }
0x49: {  	_ =	shalt  }
0x4a: {  	_ =	shalt  }
0x4b: {  	_ =	shalt  }
0x4c: {  	_ =	shalt  }
0x4d: {  	_ =	shalt  }
0x4e: {  	_ =	shalt  }
0x4f: {  	_ =	shalt  }
0x50: {  	_ =	shalt  }
0x51: {  	_ =	shalt  }
0x52: {  	_ =	shalt  }
0x53: {  	_ =	shalt  }
0x54: {  	_ =	shalt  }
0x55: {  	_ =	shalt  }
0x56: {  	_ =	shalt  }
0x57: {  	_ =	shalt  }
0x58: {  	_ =	shalt  }
0x59: {  	_ =	shalt  }
0x5a: {  	_ =	shalt  }
0x5b: {  	_ =	shalt  }
0x5c: {  	_ =	shalt  }
0x5d: {  	_ =	shalt  }
0x5e: {  	_ =	shalt  }
0x5f: {  	_ =	shalt  }
0x60: {  	_ =	shalt  }
0x61: {  	_ =	shalt  }
0x62: {  	_ =	shalt  }
0x63: {  	_ =	shalt  }
0x64: {  	_ =	shalt  }
0x65: {  	_ =	shalt  }
0x66: {  	_ =	shalt  }
0x67: {  	_ =	shalt  }
0x68: {  	_ =	shalt  }
0x69: {  	_ =	shalt  }
0x6a: {  	_ =	shalt  }
0x6b: {  	_ =	shalt  }
0x6c: {  	_ =	shalt  }
0x6d: {  	_ =	shalt  }
0x6e: {  	_ =	shalt  }
0x6f: {  	_ =	shalt  }
0x70: {  	_ =	shalt  }
0x71: {  	_ =	shalt  }
0x72: {  	_ =	shalt  }
0x73: {  	_ =	shalt  }
0x74: {  	_ =	shalt  }
0x75: {  	_ =	shalt  }
0x76: {  	_ =	shalt  }
0x77: {  	_ =	shalt  }
0x78: {  	_ =	shalt  }
0x79: {  	_ =	shalt  }
0x7a: {  	_ =	shalt  }
0x7b: {  	_ =	shalt  }
0x7c: {  	_ =	shalt  }
0x7d: {  	_ =	shalt  }
0x7e: {  	_ =	shalt  }
0x7f: {  	_ =	shalt  }
0x80: {  	_ =	shalt  }
0x81: {  	_ =	shalt  }
0x82: {  	_ =	shalt  }
0x83: {  	_ =	shalt  }
0x84: {  	_ =	shalt  }
0x85: {  	_ =	shalt  }
0x86: {  	_ =	shalt  }
0x87: {  	_ =	shalt  }
.Lfunc_end0:
.L_simem_size_0:
called_computation.2_lowered:
.L_overlay_start_0:
0x88: {  	s2 =	sld [smem:$0x3FD9]  }
0x89: {  	s3 =	sld [smem:$0x3FFE];
	_ =	sdelay $0x1  }
0x8a: {  	s1 =	srdreg.scid  }
0x8b: {  	s0 =	sand.u32 $0x1, s1  }
0x8c: {  	s16 =	sshll.u32 s0, $0xA;
	s2 =	sadd.s32 s3, s2  }
0x8d: {  	s2 =	sadd.s32 s2, s16  }
0x8e: {  	[smem:$0x3FC5] =	sst s2  }
0x8f: {  	_ = 	snop  }
0x90: {  	(tm) =	ssettm $0x1  }
0x91: {  	s17 =	sld [smem:$0x3FFB];
	_ =	sdelay $0x3  }
0x92: {  	_ =	strace s17  }
0x93: {  	s2 =	sld [smem:$0x3FFC];
	_ =	sdelay $0x3  }
0x94: {  	_ =	strace s2  }
0x95: {  	s2 =	sld [smem:$0x3FFD];
	_ =	sdelay $0x3  }
0x96: {  	_ =	strace s2  }
0x97: {  	_ =	strace $0x8FFFFFFF  }
0x98: {  	s18 =	sld [smem:$0x3FDB];
	_ =	sdelay $0x1  }
0x99: {  	s19 =	simm.s32 $_scs_section_size  }
0x9a: {  	s4 =	simm.s32 $_size__tile_overlayer_lowered;
	s5 =	simm.s32 $_tile_overlayer_lowered  }
0x9b: {  	s22 =	simm.s32 $0x1BFF;
	s21 =	sshll.u32 s5, $0x1;
	s2 =	sadd.s32 s19, s18  }
0x9c: {  	s6 =	simm.s32 $0x0;
	s20 =	sshll.u32 s4, $0x1;
	s4 =	sadd.s32 s21, s2  }
0x9d: {  	[timem:s6], [sflag:s22] =	dma.local [hbm:s4], s20  }
0x9e: {  	_ =	swait.ge [sflag:s22], s20  }
0x9f: {  	s3 =	ssub.s32 $0x0, s20;
	[sflag:s22] =	ssyncset.done $0x0  }
0xa0: {  	[sflag:s22] =	ssyncadd.s32 s3;
	_ =	sdelay $0x1  }
0xa1: {  	s23 =	simm.s32 $0x1B8B  }
0xa2: {  	_ =	swait.ge [sflag:s23], $0x1  }
0xa3: {  	[sflag:s23] =	ssyncset.done $0x0  }
0xa4: {  	s25 =	simm.s32 $0x1B8E;
	s24 =	sld [smem:$0x3FFE];
	[sflag:s23] =	ssyncadd.s32 $0xFFFFFFFF  }
0xa5: {  	s26 =	simm.s32 $execute0_lowered;
	[smem:$0x3FD2] =	sst s25  }
0xa6: {  	s4 =	sshll.u32 s26, $0x1;
	_ =	strace $0x8000004C;
	[dreg:$0x1] =	wrdreg $0xFFFFFFFF  }
0xa7: {  	s28 =	simm.s32 $_size_execute0_lowered;
	s2 =	sadd.s32 s2, s4;
	[dreg:$0x0] =	wrdreg $0x0  }
0xa8: {  	s4 =	sshll.u32 s28, $0x1;
	[dreg:$0x2] =	wrdreg s2  }
0xa9: {  	[dreg:$0x3] =	wrdreg s4  }
0xaa: {  	[dreg:$0x4] =	wrdreg $0xC0  }
0xab: {  	_ =	task [dreg:s6], $0x5FFFF  }
0xac: {  	[dreg:$0x1] =	wrdreg $0xFFFFFFFF  }
0xad: {  	[dreg:$0x0] =	wrdreg $0x60  }
0xae: {  	[dreg:$0x2] =	wrdreg s24  }
0xaf: {  	[dreg:$0x3] =	wrdreg $0x9  }
0xb0: {  	_ =	task.clear_ibuf [dreg:s6], $0x4FFFF;
	_ =	strace $0x9000004C  }
0xb1: {  	s29 =	simm.s32 $0x9;
	_ =	strace $0x8000004E  }
0xb2: {  	_ =	swait.ge [sflag:s29], $0x1  }
0xb3: {  	[sflag:s29] =	ssyncadd.s32 $0xFFFFFFFF  }
0xb4: {  	_ =	strace $0x9000004E  }
0xb5: {  	_ =	sfence  }
0xb6: {  	s30 =	sld [smem:$0x0];
	_ =	sdelay $0x2  }
0xb7: {  	s31 =	sshll.u32 s1, $0xD;
	s1 =	sshrl.u32 s1, $0x2  }
0xb8: {  	s3 =	sand.u32 $0x4000, s31;
	s1 =	sadd.s32 s1, s30  }
0xb9: {  	s0 =	sor.u32 s3, s0;
	s1 =	sshll.u32 s1, $0x11  }
0xba: {  	s0 =	sor.u32 s1, s0  }
0xbb: {  	s0 =	sadd.s32 $0x8F2B, s0  }
0xbc: {  	[sflag:s0] =	ssyncadd.remote.s32 $0x1  }
0xbd: {  	_ =	sfence.sel $0xFFFF  }
0xbe: {  	[dreg:$0x0] =	wrdreg $0xFFFFFFFF;
	(pc) =	sbr.abs _section_cstart, $3  }
0xbf: {  	[dreg:$0x1] =	wrdreg $0xFFFFFFFF  }
0xc0: {  	_ =	task.clear_ibuf [dreg:s6], $0x2FFFF;
	_ =	strace $0x9FFFFFFF  }
0xc1: {  	(tm) =	ssettm $0x7FFFFFFF  }
tec
execute0_lowered:
.L_overlay_start_1:
0x0: {  	(tag) =	ssettag $0x1  }
0x1: {  	v0 =	vimm.s32 $0x1000000;
	vm0 =	vcmask $0x300  }
0x2: {  	s1 =	rddreg [dreg:$0x0];
	vm5 =	vcmask $0x704;
	v0 =	vsel vm0, $0x1, v0  }
0x3: {  	s3 =	simm.s32 $0x0;
	s0 =	srdreg.scid;
	s2 =	stileid.u32;
	vm6 =	vcmask $0xB08;
	v0 =	vsel vm5, $0x100, v0  }
0x4: {  	vm7 =	vcmask $0x1310;
	s17 =	simm.s32 $0x1;
	s18 =	simm.s32 $0x2;
	s19 =	simm.s32 $0x12000;
	v0 =	vsel vm6, $0x10000, v0  }
0x5: {  	vm8 =	vcmask $0x1714;
	s20 =	simm.s32 $0x3;
	s21 =	simm.s32 $0x12080;
	s22 =	simm.s32 $0x0;
	v0 =	vsel vm7, $0x1, v0  }
0x6: {  	vm9 =	vcmask $0x1B18;
	[smem:$0x7FF] =	sst s3;
	s0 =	sand.u32 $0x1, s0;
	s4 =	sshll.u32 s2, $0x1;
	v0 =	vsel vm8, $0x100, v0  }
0x7: {  	vm10 =	vcmask $0x2320;
	s5 =	sadd.s32 $0x800000, s1;
	_ =	strace $0x8000004D;
	s9 =	sor.u32 s0, s4;
	v0 =	vsel vm9, $0x10000, v0  }
0x8: {  	vm11 =	vcmask $0x2724;
	s4 =	sadd.s32 $0x400000, s1;
	s0 =	ssub.s32 $0x2, s0;
	s6 =	sshll.u32 s9, $0x4;
	v0 =	vsel vm10, $0x1, v0  }
0x9: {  	vm12 =	vcmask $0x2B28;
	s31 =	sshrl.u32 s0, $0x1;
	s11 =	sshll.u32 s9, $0x11;
	s7 =	sshll.u32 s9, $0x12;
	v0 =	vsel vm11, $0x100, v0  }
.Ltmp0:
0xa: {  	vm13 =	vcmask $0x3330;
	s10 =	sshll.u32 s9, $0xF;
	s15 =	sadd.s32 s6, s1;
	v0 =	vsel vm12, $0x10000, v0;
	(pc) =	sbr.rel .LBB2_1-.Ltmp0, $4  }
0xb: {  	vm14 =	vcmask $0x3734;
	s0 =	ssub.s32 s0, s31;
	s6 =	sshll.u32 s9, $0x14;
	s8 =	sadd.s32 s1, s11;
	v0 =	vsel vm13, $0x1, v0  }
0xc: {  	v1 =	vlaneseq.u32;
	vm15 =	vcmask $0x3B38;
	s9 =	sadd.s32 s4, s11;
	s10 =	sadd.s32 s5, s10;
	s12 =	sor.u32 $0x800, s11;
	v2 =	vsel vm14, $0x100, v0  }
0xd: {  	s11 =	sadd.s32 s1, s12;
	s12 =	sadd.s32 s4, s12;
	s13 =	sadd.s32 $0x200, s10;
	v0 =	vshrl.u32 v1, $0x2;
	v1 =	vsel vm15, $0x10000, v2  }
0xe: {  	s14 =	sadd.s32 $0x900200, s15;
	s15 =	sadd.s32 $0x900000, s15;
	s16 =	smax.u32 s0, $0x1;
	v2 =	vor.u32 $0x4, v0;
	v3 =	vor.u32 $0x8, v0;
	v4 =	vor.u32 $0xC, v0  }
.LBB2_34:
0xf: {  	v6 =	vadd.f32 v6, v9;
	v5 =	vadd.f32 v8, v5;
	_ =	sdelay $0x1  }
0x10: {  	v5 =	vadd.f32 v5, v6  }
0x11: {  	[tilespmem:$0x12080] =	vst v7  }
0x12: {  	[tilespmem:$0x12000] =	vst v5  }
0x13: {  	[hbm4b:s14+s3] =	stream.linear.scatter [tilespmem:s19], [sflag:$0x3], $0x80, $0x38;
	[tilespmem:$0x12100] =	vst v63  }
0x14: {  	s22 =	sadd.s32 $0x1, s22;
	_ =	swait.ge [sflag:s20], $0x80  }
0x15: {  	p0 =	sne.s32 s22, s16;
	[sflag:s20] =	ssyncset.done $0x0  }
.Ltmp1:
0x16: {  	[sflag:s20] =	ssyncadd.s32 $0xFFFFFF80;
	(pc) =	sbr.rel @!p0 .LBB2_35-.Ltmp1, $4  }
0x17: {  	[hbm4b:s15+s3] =	stream.linear.scatter [tilespmem:s21], [sflag:$0x3], $0x80, $0x38;
	[tilespmem:$0x12100] =	vst v63  }
0x18: {  	_ =	swait.ge [sflag:s20], $0x80  }
0x19: {  	[sflag:s20] =	ssyncset.done $0x0  }
0x1a: {  	[sflag:s20] =	ssyncadd.s32 $0xFFFFFF80  }
.LBB2_1:
0x1b: {  	s23 =	simm.s32 $0x10  }
0x1c: {  	s0 =	sadd.s32 $0x0, s8;
	s24 =	simm.s32 $0x100;
	s25 =	simm.s32 $0x0  }
.LBB2_2:
0x1d: {  	[tilespmem:s25], [sflag:$0x1] =	stream.linear.gather [hbm4b:s0+s3], $0x80, $0x38;
	[tilespmem:$0x12100] =	vst v63  }
0x1e: {  	s0 =	smov.u32 s23;
	s25 =	smov.u32 s24;
	p0 =	sne.s32 s23, $0x7F0  }
.Ltmp2:
0x1f: {  	s23 =	sadd.s32 $0x10, s23;
	(pc) =	sbr.rel @p0 .LBB2_2-.Ltmp2, $2  }
0x20: {  	_ =	sdelay $0x2  }
0x21: {  	s24 =	sadd.s32 $0x100, s24;
	s0 =	sadd.s32 s0, s8  }
0x22: {  	[tilespmem:s25], [sflag:$0x1] =	stream.linear.gather [hbm4b:s0+s3], $0x80, $0x38;
	[tilespmem:$0x12100] =	vst v63  }
0x23: {  	s23 =	simm.s32 $0x8000  }
0x24: {  	s24 =	simm.s32 $0x10;
	s0 =	sadd.s32 $0x0, s9;
	s25 =	simm.s32 $0x8100  }
.LBB2_4:
0x25: {  	[tilespmem:s23], [sflag:$0x1] =	stream.linear.gather [hbm4b:s0+s3], $0x80, $0x38;
	[tilespmem:$0x12100] =	vst v63  }
0x26: {  	s0 =	smov.u32 s24;
	s23 =	smov.u32 s25;
	p0 =	sne.s32 s24, $0x7F0  }
.Ltmp3:
0x27: {  	s24 =	sadd.s32 $0x10, s24;
	(pc) =	sbr.rel @p0 .LBB2_4-.Ltmp3, $2  }
0x28: {  	_ =	sdelay $0x2  }
0x29: {  	s25 =	sadd.s32 $0x100, s25;
	s0 =	sadd.s32 s0, s9  }
0x2a: {  	[tilespmem:s23], [sflag:$0x1] =	stream.linear.gather [hbm4b:s0+s3], $0x80, $0x38;
	[tilespmem:$0x12100] =	vst v63  }
0x2b: {  	s23 =	simm.s32 $0x10000  }
0x2c: {  	s24 =	simm.s32 $0x10;
	s0 =	sadd.s32 $0x0, s10;
	s25 =	simm.s32 $0x10100  }
.LBB2_6:
0x2d: {  	[tilespmem:s23], [sflag:$0x1] =	stream.linear.gather [hbm4b:s0+s3], $0x80, $0x38;
	[tilespmem:$0x12100] =	vst v63  }
0x2e: {  	s0 =	smov.u32 s24;
	s23 =	smov.u32 s25;
	p0 =	sne.s32 s24, $0x1F0  }
.Ltmp4:
0x2f: {  	s24 =	sadd.s32 $0x10, s24;
	(pc) =	sbr.rel @p0 .LBB2_6-.Ltmp4, $2  }
0x30: {  	_ =	sdelay $0x2  }
0x31: {  	s25 =	sadd.s32 $0x100, s25;
	s0 =	sadd.s32 s0, s10  }
0x32: {  	[tilespmem:s23], [sflag:$0x1] =	stream.linear.gather [hbm4b:s0+s3], $0x80, $0x38;
	[tilespmem:$0x12100] =	vst v63  }
0x33: {  	s23 =	simm.s32 $0x80  }
0x34: {  	s24 =	simm.s32 $0x10;
	s0 =	sadd.s32 $0x0, s11;
	s25 =	simm.s32 $0x180  }
.LBB2_8:
0x35: {  	[tilespmem:s23], [sflag:$0x2] =	stream.linear.gather [hbm4b:s0+s3], $0x80, $0x38;
	[tilespmem:$0x12100] =	vst v63  }
0x36: {  	s0 =	smov.u32 s24;
	s23 =	smov.u32 s25;
	p0 =	sne.s32 s24, $0x7F0  }
.Ltmp5:
0x37: {  	s24 =	sadd.s32 $0x10, s24;
	(pc) =	sbr.rel @p0 .LBB2_8-.Ltmp5, $2  }
0x38: {  	_ =	sdelay $0x2  }
0x39: {  	s25 =	sadd.s32 $0x100, s25;
	s0 =	sadd.s32 s0, s11  }
0x3a: {  	[tilespmem:s23], [sflag:$0x2] =	stream.linear.gather [hbm4b:s0+s3], $0x80, $0x38;
	[tilespmem:$0x12100] =	vst v63  }
0x3b: {  	s23 =	simm.s32 $0x8080  }
0x3c: {  	s24 =	simm.s32 $0x10;
	s0 =	sadd.s32 $0x0, s12;
	s25 =	simm.s32 $0x8180  }
.LBB2_10:
0x3d: {  	[tilespmem:s23], [sflag:$0x2] =	stream.linear.gather [hbm4b:s0+s3], $0x80, $0x38;
	[tilespmem:$0x12100] =	vst v63  }
0x3e: {  	s0 =	smov.u32 s24;
	s23 =	smov.u32 s25;
	p0 =	sne.s32 s24, $0x7F0  }
.Ltmp6:
0x3f: {  	s24 =	sadd.s32 $0x10, s24;
	(pc) =	sbr.rel @p0 .LBB2_10-.Ltmp6, $2  }
0x40: {  	_ =	sdelay $0x2  }
0x41: {  	s25 =	sadd.s32 $0x100, s25;
	s0 =	sadd.s32 s0, s12  }
0x42: {  	[tilespmem:s23], [sflag:$0x2] =	stream.linear.gather [hbm4b:s0+s3], $0x80, $0x38;
	[tilespmem:$0x12100] =	vst v63  }
0x43: {  	s23 =	simm.s32 $0x0;
	s0 =	simm.s32 $0x10080;
	s24 =	simm.s32 $0x0  }
.LBB2_12:
0x44: {  	p0 =	sne.s32 s24, $0x1F0  }
.Ltmp7:
0x45: {  	_ = 	snop;
	(pc) =	sbr.rel @p0 .LBB2_12-.Ltmp7, $4  }
0x46: {  	_ = 	snop  }
0x47: {  	s25 =	sadd.s32 s24, s13  }
0x48: {  	[tilespmem:s0], [sflag:$0x2] =	stream.linear.gather [hbm4b:s25+s23], $0x80, $0x38;
	[tilespmem:$0x12100] =	vst v63  }
0x49: {  	s24 =	sadd.s32 $0x10, s24;
	s0 =	sadd.s32 $0x100, s0  }
0x4a: {  	v8 =	vimm.f32 $0.0e+00;
	v7 =	vimm.s32 $0x0  }
0x4b: {  	v5 =	vimm.f32 $0.0e+00;
	v6 =	vimm.f32 $0.0e+00;
	v9 =	vimm.f32 $0.0e+00  }
.LBB2_14:
0x4c: {  	_ =	swait.ge [sflag:s17], $0x4000  }
0x4d: {  	[sflag:s17] =	ssyncset.done $0x0  }
0x4e: {  	[sflag:s17] =	ssyncadd.s32 $0xFFFFC000  }
0x4f: {  	_ =	swait.ge [sflag:s17], $0x4000  }
0x50: {  	[sflag:s17] =	ssyncset.done $0x0  }
0x51: {  	s0 =	simm.s32 $0x0;
	[sflag:s17] =	ssyncadd.s32 $0xFFFFC000  }
0x52: {  	s24 =	sand.u32 $0x70, s0;
	_ =	swait.ge [sflag:s17], $0x1000  }
0x53: {  	s25 =	sand.u32 $0x1F00, s0;
	s26 =	sand.u32 $0x40, s0;
	[sflag:s17] =	ssyncset.done $0x0  }
0x54: {  	s0 =	sand.u32 $0x7F00, s0;
	s24 =	sor.u32 s24, s25;
	[sflag:s17] =	ssyncadd.s32 $0xFFFFF000  }
0x55: {  	s0 =	sor.u32 s26, s0;
	v10 =	vld [tilespmem:s24+$0x10000]  }
0x56: {  	v11 =	vld [tilespmem:s0+$0x30]  }
0x57: {  	v12 =	vld [tilespmem:s0+$0x8030]  }
0x58: {  	v13 =	vld [tilespmem:s0+$0x0]  }
0x59: {  	v14 =	vld [tilespmem:s0+$0x8000]  }
0x5a: {  	v15 =	vld [tilespmem:s0+$0x10]  }
0x5b: {  	v18 =	vld [tilespmem:s0+$0x8010]  }
0x5c: {  	v21 =	vld [tilespmem:s0+$0x20]  }
0x5d: {  	s25 =	simm.s32 $0x10;
	v22 =	vld [tilespmem:s0+$0x8020];
	s0 =	simm.s32 $0x20;
	v16 =	vperm.xlane v10, v0;
	v17 =	vperm.xlane v10, v4  }
0x5e: {  	s25 =	sand.u32 $0x70, s25;
	s0 =	sand.u32 $0x1F00, s0;
	v19 =	vperm.xlane v10, v2;
	v20 =	vperm.xlane v10, v3  }
0x5f: {  	s0 =	sor.u32 s25, s0;
	v10 =	vmul.u32 $0x1010101, v10;
	v11 =	vsub.f32 v11, v12;
	v13 =	vsub.f32 v13, v14  }
0x60: {  	s26 =	simm.s32 $0x80;
	s24 =	simm.s32 $0x40;
	v14 =	vld [tilespmem:s0+$0x10000];
	v16 =	vand.u32 v1, v16;
	v17 =	vand.u32 v1, v17;
	v12 =	vand.u32 v1, v19  }
0x61: {  	s26 =	sand.u32 $0x7F00, s26;
	s24 =	sand.u32 $0x40, s24;
	v19 =	vand.u32 v1, v20;
	vm0 =	veq.s32 v17, $0x0;
	vm1 =	veq.s32 v16, $0x0  }
0x62: {  	s0 =	sor.u32 s24, s26;
	vm2 =	veq.s32 v19, $0x0;
	v11 =	vnsel vm0, $0x0, v11;
	vm0 =	veq.s32 v12, $0x0  }
0x63: {  	v17 =	vld [tilespmem:s0+$0x8030];
	v12 =	vnsel vm1, $0x0, v13;
	v13 =	vsub.f32 v15, v18;
	v11 =	vmul.f32 v11, v11  }
0x64: {  	v16 =	vshra.s32 v10, $0x18;
	v15 =	vld [tilespmem:s0+$0x30];
	v18 =	vsub.f32 v21, v22;
	v12 =	vmul.f32 v12, v12  }
0x65: {  	v20 =	vld [tilespmem:s0+$0x8000];
	v62 =	vperm.xlane v14, v2;
	v10 =	vadd.f32 v11, v8;
	v11 =	vnsel vm0, $0x0, v13  }
0x66: {  	v19 =	vld [tilespmem:s0+$0x0];
	v8 =	vadd.s32 v7, v16;
	v7 =	vadd.f32 v12, v9;
	v16 =	vperm.xlane v14, v0  }
0x67: {  	v12 =	vld [tilespmem:s0+$0x10];
	v13 =	vmul.f32 v11, v11;
	v11 =	vnsel vm2, $0x0, v18;
	v18 =	vperm.xlane v14, v4  }
0x68: {  	v63 =	vperm.xlane v14, v3;
	v9 =	vmul.u32 $0x1010101, v14;
	v14 =	vld [tilespmem:s0+$0x8010];
	v23 =	vand.u32 v1, v16  }
0x69: {  	s28 =	simm.s32 $0xC0;
	s26 =	simm.s32 $0x80;
	v24 =	vsub.f32 v15, v17;
	v16 =	vand.u32 v1, v62;
	v15 =	vld [tilespmem:s0+$0x8020];
	v18 =	vand.u32 v1, v18  }
0x6a: {  	s25 =	simm.s32 $0x40;
	s29 =	sand.u32 $0x40, s26;
	s26 =	simm.s32 $0x20;
	v17 =	vand.u32 v1, v63;
	v6 =	vadd.f32 v13, v6;
	v13 =	vld [tilespmem:s0+$0x20];
	vm1 =	veq.s32 v18, $0x0  }
0x6b: {  	s31 =	sand.u32 $0x1F00, s25;
	s24 =	simm.s32 $0x100;
	s30 =	sand.u32 $0x70, s26;
	vm0 =	veq.s32 v23, $0x0;
	v18 =	vsub.f32 v19, v20;
	v19 =	vnsel vm1, $0x0, v24  }
.LBB2_15:
0x6c: {  	p0 =	sne.s32 s28, $0x3FC0;
	s0 =	sor.u32 s30, s31;
	s30 =	sand.u32 $0x7F00, s24;
	vm1 =	veq.s32 v16, $0x0;
	vm2 =	veq.s32 v17, $0x0;
	v16 =	vmul.f32 v19, v19  }
0x6d: {  	v11 =	vmul.f32 v11, v11;
	v17 =	vld [tilespmem:s0+$0x10000];
	s0 =	sor.u32 s29, s30;
	v18 =	vnsel vm0, $0x0, v18;
	v12 =	vsub.f32 v12, v14  }
0x6e: {  	v9 =	vshra.s32 v9, $0x18;
	v19 =	vld [tilespmem:s0+$0x30];
	v14 =	vmul.f32 v18, v18;
	v10 =	vadd.f32 v16, v10  }
0x6f: {  	v5 =	vadd.f32 v11, v5;
	v16 =	vld [tilespmem:s0+$0x8030];
	v12 =	vnsel vm1, $0x0, v12;
	v13 =	vsub.f32 v13, v15  }
0x70: {  	v8 =	vadd.s32 v8, v9;
	v18 =	vld [tilespmem:s0+$0x0];
	v7 =	vadd.f32 v14, v7;
	v15 =	vmul.f32 v12, v12  }
0x71: {  	v20 =	vld [tilespmem:s0+$0x8000];
	v11 =	vnsel vm2, $0x0, v13  }
.Ltmp8:
0x72: {  	v9 =	vmul.u32 $0x1010101, v17;
	v13 =	vperm.xlane v17, v0;
	v12 =	vld [tilespmem:s0+$0x10];
	v21 =	vperm.xlane v17, v4;
	(pc) =	sbr.rel @p0 .LBB2_15-.Ltmp8, $4  }
0x73: {  	v22 =	vperm.xlane v17, v2;
	v17 =	vperm.xlane v17, v3;
	v6 =	vadd.f32 v15, v6;
	v14 =	vld [tilespmem:s0+$0x8010]  }
0x74: {  	s24 =	sadd.s32 $0x80, s24;
	v23 =	vand.u32 v1, v13;
	v13 =	vld [tilespmem:s0+$0x20];
	v21 =	vand.u32 v1, v21;
	v19 =	vsub.f32 v19, v16  }
0x75: {  	s25 =	sadd.s32 $0x20, s25;
	s26 =	sadd.s32 $0x10, s26;
	s29 =	sand.u32 $0x40, s28;
	v16 =	vand.u32 v1, v22;
	v17 =	vand.u32 v1, v17;
	v15 =	vld [tilespmem:s0+$0x8020];
	vm1 =	veq.s32 v21, $0x0  }
0x76: {  	s30 =	sand.u32 $0x70, s26;
	s31 =	sand.u32 $0x1F00, s25;
	s28 =	sadd.s32 $0x40, s28;
	vm0 =	veq.s32 v23, $0x0;
	v18 =	vsub.f32 v18, v20;
	v19 =	vnsel vm1, $0x0, v19  }
0x77: {  	s0 =	sor.u32 s30, s31;
	s24 =	sand.u32 $0x7F00, s24  }
0x78: {  	v20 =	vld [tilespmem:s0+$0x10000];
	s31 =	sor.u32 s29, s24  }
0x79: {  	v21 =	vld [tilespmem:s31+$0x30]  }
0x7a: {  	v22 =	vld [tilespmem:s31+$0x8030]  }
0x7b: {  	v19 =	vmul.f32 v19, v19;
	vm12 =	veq.s32 v16, $0x0;
	v50 =	vld [tilespmem:s31+$0x0]  }
0x7c: {  	v11 =	vmul.f32 v11, v11;
	v18 =	vnsel vm0, $0x0, v18;
	v12 =	vsub.f32 v12, v14;
	v51 =	vld [tilespmem:s31+$0x8000]  }
0x7d: {  	vm1 =	veq.s32 v17, $0x0;
	v9 =	vshra.s32 v9, $0x18;
	v52 =	vmul.f32 v18, v18;
	v53 =	vld [tilespmem:s31+$0x10]  }
0x7e: {  	v5 =	vadd.f32 v11, v5;
	v11 =	vld [tilespmem:s31+$0x8010];
	v12 =	vnsel vm12, $0x0, v12;
	v13 =	vsub.f32 v13, v15  }
0x7f: {  	v9 =	vadd.s32 v8, v9;
	v10 =	vadd.f32 v19, v10;
	v8 =	vmul.f32 v12, v12  }
0x80: {  	v56 =	vld [tilespmem:s31+$0x20];
	v7 =	vadd.f32 v52, v7;
	v54 =	vnsel vm1, $0x0, v13;
	v55 =	vperm.xlane v20, v0  }
0x81: {  	v57 =	vperm.xlane v20, v4;
	v58 =	vperm.xlane v20, v2;
	v6 =	vadd.f32 v8, v6;
	v8 =	vld [tilespmem:s31+$0x8020]  }
0x82: {  	v59 =	vmul.u32 $0x1010101, v20;
	v20 =	vperm.xlane v20, v3;
	v21 =	vsub.f32 v21, v22  }
0x83: {  	v12 =	vmul.f32 v54, v54;
	v60 =	vsub.f32 v50, v51;
	v11 =	vsub.f32 v53, v11  }
0x84: {  	v13 =	vand.u32 v1, v55;
	v18 =	vand.u32 v1, v57;
	v19 =	vand.u32 v1, v58  }
0x85: {  	v20 =	vand.u32 v1, v20;
	vm13 =	veq.s32 v18, $0x0;
	vm14 =	veq.s32 v13, $0x0  }
0x86: {  	p0 =	seq.s32 s23, $0x1F;
	vm15 =	veq.s32 v19, $0x0;
	vm2 =	veq.s32 v20, $0x0;
	v8 =	vsub.f32 v56, v8  }
.Ltmp9:
0x87: {  	v61 =	vnsel vm13, $0x0, v21;
	v13 =	vnsel vm14, $0x0, v60;
	v11 =	vnsel vm15, $0x0, v11;
	(pc) =	sbr.rel @p0 .LBB2_24-.Ltmp9, $4  }
0x88: {  	v13 =	vmul.f32 v13, v13;
	v11 =	vmul.f32 v11, v11;
	v8 =	vnsel vm2, $0x0, v8  }
0x89: {  	v5 =	vadd.f32 v12, v5;
	v14 =	vmul.f32 v61, v61;
	v62 =	vmul.f32 v8, v8  }
0x8a: {  	v63 =	vshra.s32 v59, $0x18;
	v7 =	vadd.f32 v13, v7;
	v6 =	vadd.f32 v11, v6  }
0x8b: {  	s24 =	sshll.u32 s23, $0x1;
	v9 =	vadd.s32 v9, v63;
	v8 =	vadd.f32 v14, v10;
	v5 =	vadd.f32 v62, v5  }
0x8c: {  	s25 =	sadd.s32 $0x2, s24  }
0x8d: {  	s0 =	sshll.u32 s25, $0xE  }
0x8e: {  	s0 =	sadd.s32 s6, s0  }
0x8f: {  	s26 =	sshrl.u32 s0, $0x3  }
0x90: {  	s29 =	simm.s32 $0x0;
	s28 =	sadd.s32 s1, s26  }
0x91: {  	s30 =	simm.s32 $0x10;
	s31 =	simm.s32 $0x100;
	s0 =	sadd.s32 $0x0, s28  }
.LBB2_18:
0x92: {  	[tilespmem:s29], [sflag:$0x1] =	stream.linear.gather [hbm4b:s0+s3], $0x80, $0x38;
	[tilespmem:$0x12100] =	vst v63  }
0x93: {  	s0 =	smov.u32 s30;
	s29 =	smov.u32 s31;
	p1 =	sne.s32 s30, $0x7F0  }
.Ltmp10:
0x94: {  	s30 =	sadd.s32 $0x10, s30;
	(pc) =	sbr.rel @p1 .LBB2_18-.Ltmp10, $2  }
0x95: {  	_ =	sdelay $0x2  }
0x96: {  	s31 =	sadd.s32 $0x100, s31;
	s0 =	sadd.s32 s0, s28  }
0x97: {  	[tilespmem:s29], [sflag:$0x1] =	stream.linear.gather [hbm4b:s0+s3], $0x80, $0x38;
	[tilespmem:$0x12100] =	vst v63  }
0x98: {  	s26 =	sadd.s32 s4, s26;
	s28 =	simm.s32 $0x8000  }
0x99: {  	s29 =	simm.s32 $0x10;
	s30 =	simm.s32 $0x8100;
	s0 =	sadd.s32 $0x0, s26  }
.LBB2_20:
0x9a: {  	[tilespmem:s28], [sflag:$0x1] =	stream.linear.gather [hbm4b:s0+s3], $0x80, $0x38;
	[tilespmem:$0x12100] =	vst v63  }
0x9b: {  	s0 =	smov.u32 s29;
	s28 =	smov.u32 s30;
	p1 =	sne.s32 s29, $0x7F0  }
.Ltmp11:
0x9c: {  	s29 =	sadd.s32 $0x10, s29;
	(pc) =	sbr.rel @p1 .LBB2_20-.Ltmp11, $2  }
0x9d: {  	_ =	sdelay $0x2  }
0x9e: {  	s30 =	sadd.s32 $0x100, s30;
	s0 =	sadd.s32 s0, s26  }
0x9f: {  	[tilespmem:s28], [sflag:$0x1] =	stream.linear.gather [hbm4b:s0+s3], $0x80, $0x38;
	[tilespmem:$0x12100] =	vst v63  }
0xa0: {  	s31 =	sshll.u32 s25, $0xC  }
0xa1: {  	s0 =	sadd.s32 s7, s31  }
0xa2: {  	s0 =	sshrl.u32 s0, $0x3  }
0xa3: {  	s26 =	simm.s32 $0x10000;
	s25 =	sadd.s32 s5, s0  }
0xa4: {  	s28 =	simm.s32 $0x10;
	s29 =	simm.s32 $0x10100;
	s0 =	sadd.s32 $0x0, s25  }
.LBB2_22:
0xa5: {  	[tilespmem:s26], [sflag:$0x1] =	stream.linear.gather [hbm4b:s0+s3], $0x80, $0x38;
	[tilespmem:$0x12100] =	vst v63  }
0xa6: {  	s0 =	smov.u32 s28;
	s26 =	smov.u32 s29;
	p1 =	sne.s32 s28, $0x1F0  }
.Ltmp12:
0xa7: {  	s28 =	sadd.s32 $0x10, s28;
	(pc) =	sbr.rel @p1 .LBB2_22-.Ltmp12, $2  }
0xa8: {  	_ =	sdelay $0x2  }
0xa9: {  	s29 =	sadd.s32 $0x100, s29;
	s0 =	sadd.s32 s0, s25  }
0xaa: {  	[tilespmem:s26], [sflag:$0x1] =	stream.linear.gather [hbm4b:s0+s3], $0x80, $0x38;
	[tilespmem:$0x12100] =	vst v63  }
.LBB2_24:
0xab: {  	_ =	swait.ge [sflag:s18], $0x4000  }
0xac: {  	[sflag:s18] =	ssyncset.done $0x0  }
0xad: {  	[sflag:s18] =	ssyncadd.s32 $0xFFFFC000  }
0xae: {  	_ =	swait.ge [sflag:s18], $0x4000  }
0xaf: {  	[sflag:s18] =	ssyncset.done $0x0  }
0xb0: {  	s0 =	simm.s32 $0x0;
	[sflag:s18] =	ssyncadd.s32 $0xFFFFC000  }
0xb1: {  	s25 =	sand.u32 $0x70, s0;
	_ =	swait.ge [sflag:s18], $0x1000  }
0xb2: {  	s26 =	sand.u32 $0x1F00, s0;
	s28 =	sand.u32 $0x40, s0;
	[sflag:s18] =	ssyncset.done $0x0  }
0xb3: {  	s0 =	sand.u32 $0x7F00, s0;
	s25 =	sor.u32 s25, s26;
	[sflag:s18] =	ssyncadd.s32 $0xFFFFF000  }
0xb4: {  	s0 =	sor.u32 s28, s0;
	v10 =	vld [tilespmem:s25+$0x10080]  }
0xb5: {  	v11 =	vld [tilespmem:s0+$0xB0]  }
0xb6: {  	v12 =	vld [tilespmem:s0+$0x80B0]  }
0xb7: {  	v13 =	vld [tilespmem:s0+$0x80]  }
0xb8: {  	v14 =	vld [tilespmem:s0+$0x8080]  }
0xb9: {  	v15 =	vld [tilespmem:s0+$0x90]  }
0xba: {  	v18 =	vld [tilespmem:s0+$0x8090]  }
0xbb: {  	v21 =	vld [tilespmem:s0+$0xA0]  }
0xbc: {  	s26 =	simm.s32 $0x10;
	v22 =	vld [tilespmem:s0+$0x80A0];
	s0 =	simm.s32 $0x20;
	v16 =	vperm.xlane v10, v0;
	v17 =	vperm.xlane v10, v4  }
0xbd: {  	s26 =	sand.u32 $0x70, s26;
	s0 =	sand.u32 $0x1F00, s0;
	v19 =	vperm.xlane v10, v2;
	v20 =	vperm.xlane v10, v3  }
0xbe: {  	s0 =	sor.u32 s26, s0;
	v10 =	vmul.u32 $0x1010101, v10;
	v11 =	vsub.f32 v11, v12;
	v13 =	vsub.f32 v13, v14  }
0xbf: {  	s28 =	simm.s32 $0x80;
	s25 =	simm.s32 $0x40;
	v14 =	vld [tilespmem:s0+$0x10080];
	v16 =	vand.u32 v1, v16;
	v17 =	vand.u32 v1, v17;
	v12 =	vand.u32 v1, v19  }
0xc0: {  	s25 =	sand.u32 $0x40, s25;
	s26 =	sand.u32 $0x7F00, s28;
	v19 =	vand.u32 v1, v20;
	vm0 =	veq.s32 v17, $0x0;
	vm1 =	veq.s32 v16, $0x0  }
0xc1: {  	s0 =	sor.u32 s25, s26;
	vm2 =	veq.s32 v19, $0x0;
	v11 =	vnsel vm0, $0x0, v11;
	vm0 =	veq.s32 v12, $0x0  }
0xc2: {  	v17 =	vld [tilespmem:s0+$0x80B0];
	v12 =	vnsel vm1, $0x0, v13;
	v13 =	vsub.f32 v15, v18;
	v11 =	vmul.f32 v11, v11  }
0xc3: {  	v16 =	vshra.s32 v10, $0x18;
	v15 =	vld [tilespmem:s0+$0xB0];
	v18 =	vsub.f32 v21, v22;
	v12 =	vmul.f32 v12, v12  }
0xc4: {  	v20 =	vld [tilespmem:s0+$0x8080];
	v62 =	vperm.xlane v14, v2;
	v10 =	vadd.f32 v11, v8;
	v11 =	vnsel vm0, $0x0, v13  }
0xc5: {  	v19 =	vld [tilespmem:s0+$0x80];
	v8 =	vadd.s32 v9, v16;
	v7 =	vadd.f32 v12, v7;
	v16 =	vperm.xlane v14, v0  }
0xc6: {  	v12 =	vld [tilespmem:s0+$0x90];
	v13 =	vmul.f32 v11, v11;
	v11 =	vnsel vm2, $0x0, v18;
	v18 =	vperm.xlane v14, v4  }
0xc7: {  	v63 =	vperm.xlane v14, v3;
	v9 =	vmul.u32 $0x1010101, v14;
	v14 =	vld [tilespmem:s0+$0x8090];
	v23 =	vand.u32 v1, v16  }
0xc8: {  	s29 =	simm.s32 $0xC0;
	s26 =	simm.s32 $0x80;
	v24 =	vsub.f32 v15, v17;
	v16 =	vand.u32 v1, v62;
	v15 =	vld [tilespmem:s0+$0x80A0];
	v18 =	vand.u32 v1, v18  }
0xc9: {  	s28 =	simm.s32 $0x20;
	s30 =	sand.u32 $0x40, s26;
	s26 =	simm.s32 $0x40;
	v17 =	vand.u32 v1, v63;
	v6 =	vadd.f32 v13, v6;
	v13 =	vld [tilespmem:s0+$0xA0];
	vm1 =	veq.s32 v18, $0x0  }
0xca: {  	s31 =	sand.u32 $0x70, s28;
	s25 =	simm.s32 $0x100;
	s0 =	sand.u32 $0x1F00, s26;
	vm0 =	veq.s32 v23, $0x0;
	v18 =	vsub.f32 v19, v20;
	v19 =	vnsel vm1, $0x0, v24  }
.LBB2_25:
0xcb: {  	p1 =	sne.s32 s29, $0x3FC0;
	s0 =	sor.u32 s31, s0;
	s31 =	sand.u32 $0x7F00, s25;
	vm1 =	veq.s32 v16, $0x0;
	vm2 =	veq.s32 v17, $0x0;
	v16 =	vmul.f32 v19, v19  }
0xcc: {  	v11 =	vmul.f32 v11, v11;
	v17 =	vld [tilespmem:s0+$0x10080];
	s0 =	sor.u32 s30, s31;
	v18 =	vnsel vm0, $0x0, v18;
	v12 =	vsub.f32 v12, v14  }
0xcd: {  	v9 =	vshra.s32 v9, $0x18;
	v19 =	vld [tilespmem:s0+$0xB0];
	v14 =	vmul.f32 v18, v18;
	v10 =	vadd.f32 v16, v10  }
0xce: {  	v5 =	vadd.f32 v11, v5;
	v16 =	vld [tilespmem:s0+$0x80B0];
	v12 =	vnsel vm1, $0x0, v12;
	v13 =	vsub.f32 v13, v15  }
0xcf: {  	v8 =	vadd.s32 v8, v9;
	v18 =	vld [tilespmem:s0+$0x80];
	v7 =	vadd.f32 v14, v7;
	v15 =	vmul.f32 v12, v12  }
0xd0: {  	v20 =	vld [tilespmem:s0+$0x8080];
	v11 =	vnsel vm2, $0x0, v13  }
.Ltmp13:
0xd1: {  	v9 =	vmul.u32 $0x1010101, v17;
	v13 =	vperm.xlane v17, v0;
	v12 =	vld [tilespmem:s0+$0x90];
	v21 =	vperm.xlane v17, v4;
	(pc) =	sbr.rel @p1 .LBB2_25-.Ltmp13, $4  }
0xd2: {  	v22 =	vperm.xlane v17, v2;
	v17 =	vperm.xlane v17, v3;
	v6 =	vadd.f32 v15, v6;
	v14 =	vld [tilespmem:s0+$0x8090]  }
0xd3: {  	s25 =	sadd.s32 $0x80, s25;
	v23 =	vand.u32 v1, v13;
	v13 =	vld [tilespmem:s0+$0xA0];
	v21 =	vand.u32 v1, v21;
	v19 =	vsub.f32 v19, v16  }
0xd4: {  	s26 =	sadd.s32 $0x20, s26;
	s28 =	sadd.s32 $0x10, s28;
	s30 =	sand.u32 $0x40, s29;
	v16 =	vand.u32 v1, v22;
	v17 =	vand.u32 v1, v17;
	v15 =	vld [tilespmem:s0+$0x80A0];
	vm1 =	veq.s32 v21, $0x0  }
0xd5: {  	s31 =	sand.u32 $0x70, s28;
	s29 =	sadd.s32 $0x40, s29;
	s0 =	sand.u32 $0x1F00, s26;
	vm0 =	veq.s32 v23, $0x0;
	v18 =	vsub.f32 v18, v20;
	v19 =	vnsel vm1, $0x0, v19  }
0xd6: {  	s0 =	sor.u32 s31, s0;
	s25 =	sand.u32 $0x7F00, s25  }
0xd7: {  	v20 =	vld [tilespmem:s0+$0x10080];
	s31 =	sor.u32 s30, s25  }
0xd8: {  	v21 =	vld [tilespmem:s31+$0xB0]  }
0xd9: {  	v22 =	vld [tilespmem:s31+$0x80B0]  }
0xda: {  	v19 =	vmul.f32 v19, v19;
	v11 =	vmul.f32 v11, v11;
	v49 =	vld [tilespmem:s31+$0x80]  }
0xdb: {  	vm12 =	veq.s32 v16, $0x0;
	v18 =	vnsel vm0, $0x0, v18;
	v12 =	vsub.f32 v12, v14;
	v50 =	vld [tilespmem:s31+$0x8080]  }
0xdc: {  	v9 =	vshra.s32 v9, $0x18;
	v51 =	vmul.f32 v18, v18;
	v52 =	vld [tilespmem:s31+$0x90];
	v5 =	vadd.f32 v11, v5  }
0xdd: {  	v11 =	vadd.s32 v8, v9;
	v9 =	vld [tilespmem:s31+$0x8090];
	v12 =	vnsel vm12, $0x0, v12;
	v13 =	vsub.f32 v13, v15  }
0xde: {  	vm1 =	veq.s32 v17, $0x0;
	v10 =	vadd.f32 v19, v10;
	v8 =	vmul.f32 v12, v12  }
0xdf: {  	v55 =	vld [tilespmem:s31+$0xA0];
	v7 =	vadd.f32 v51, v7;
	v53 =	vnsel vm1, $0x0, v13;
	v54 =	vperm.xlane v20, v0  }
0xe0: {  	v56 =	vperm.xlane v20, v4;
	v57 =	vperm.xlane v20, v2;
	v6 =	vadd.f32 v8, v6;
	v8 =	vld [tilespmem:s31+$0x80A0]  }
0xe1: {  	v58 =	vmul.u32 $0x1010101, v20;
	v20 =	vperm.xlane v20, v3;
	v21 =	vsub.f32 v21, v22  }
0xe2: {  	v12 =	vmul.f32 v53, v53;
	v59 =	vsub.f32 v49, v50;
	v9 =	vsub.f32 v52, v9  }
0xe3: {  	v13 =	vand.u32 v1, v54;
	v18 =	vand.u32 v1, v56;
	v19 =	vand.u32 v1, v57  }
0xe4: {  	v20 =	vand.u32 v1, v20;
	vm13 =	veq.s32 v18, $0x0;
	vm14 =	veq.s32 v13, $0x0  }
0xe5: {  	vm15 =	veq.s32 v19, $0x0;
	vm2 =	veq.s32 v20, $0x0;
	v8 =	vsub.f32 v55, v8  }
0xe6: {  	v60 =	vnsel vm13, $0x0, v21;
	v13 =	vnsel vm14, $0x0, v59;
	v9 =	vnsel vm15, $0x0, v9  }
.Ltmp14:
0xe7: {  	v13 =	vmul.f32 v13, v13;
	v61 =	vmul.f32 v9, v9;
	v8 =	vnsel vm2, $0x0, v8;
	(pc) =	sbr.rel @p0 .LBB2_34-.Ltmp14, $4  }
0xe8: {  	v5 =	vadd.f32 v12, v5;
	v14 =	vmul.f32 v60, v60;
	v62 =	vmul.f32 v8, v8  }
0xe9: {  	v9 =	vadd.f32 v13, v7;
	v6 =	vadd.f32 v61, v6  }
0xea: {  	v63 =	vshra.s32 v58, $0x18;
	v8 =	vadd.f32 v14, v10;
	v5 =	vadd.f32 v62, v5  }
0xeb: {  	v7 =	vadd.s32 v11, v63  }
0xec: {  	s24 =	sadd.s32 $0x3, s24  }
0xed: {  	s0 =	sshll.u32 s24, $0xE  }
0xee: {  	s0 =	sadd.s32 s6, s0  }
0xef: {  	s25 =	sshrl.u32 s0, $0x3  }
0xf0: {  	s28 =	simm.s32 $0x80;
	s26 =	sadd.s32 s1, s25  }
0xf1: {  	s29 =	simm.s32 $0x10;
	s30 =	simm.s32 $0x180;
	s0 =	sadd.s32 $0x0, s26  }
.LBB2_28:
0xf2: {  	[tilespmem:s28], [sflag:$0x2] =	stream.linear.gather [hbm4b:s0+s3], $0x80, $0x38;
	[tilespmem:$0x12100] =	vst v63  }
0xf3: {  	s0 =	smov.u32 s29;
	s28 =	smov.u32 s30;
	p0 =	sne.s32 s29, $0x7F0  }
.Ltmp15:
0xf4: {  	s29 =	sadd.s32 $0x10, s29;
	(pc) =	sbr.rel @p0 .LBB2_28-.Ltmp15, $2  }
0xf5: {  	_ =	sdelay $0x2  }
0xf6: {  	s30 =	sadd.s32 $0x100, s30;
	s0 =	sadd.s32 s0, s26  }
0xf7: {  	[tilespmem:s28], [sflag:$0x2] =	stream.linear.gather [hbm4b:s0+s3], $0x80, $0x38;
	[tilespmem:$0x12100] =	vst v63  }
0xf8: {  	s25 =	sadd.s32 s4, s25;
	s26 =	simm.s32 $0x8080  }
0xf9: {  	s28 =	simm.s32 $0x10;
	s29 =	simm.s32 $0x8180;
	s0 =	sadd.s32 $0x0, s25  }
.LBB2_30:
0xfa: {  	[tilespmem:s26], [sflag:$0x2] =	stream.linear.gather [hbm4b:s0+s3], $0x80, $0x38;
	[tilespmem:$0x12100] =	vst v63  }
0xfb: {  	s0 =	smov.u32 s28;
	s26 =	smov.u32 s29;
	p0 =	sne.s32 s28, $0x7F0  }
.Ltmp16:
0xfc: {  	s28 =	sadd.s32 $0x10, s28;
	(pc) =	sbr.rel @p0 .LBB2_30-.Ltmp16, $2  }
0xfd: {  	_ =	sdelay $0x2  }
0xfe: {  	s29 =	sadd.s32 $0x100, s29;
	s0 =	sadd.s32 s0, s25  }
0xff: {  	[tilespmem:s26], [sflag:$0x2] =	stream.linear.gather [hbm4b:s0+s3], $0x80, $0x38;
	[tilespmem:$0x12100] =	vst v63  }
0x100: {  	s31 =	sshll.u32 s24, $0xC  }
0x101: {  	s0 =	sadd.s32 s7, s31  }
0x102: {  	s0 =	sshrl.u32 s0, $0x3  }
0x103: {  	s25 =	simm.s32 $0x10080;
	s24 =	sadd.s32 s5, s0  }
0x104: {  	s26 =	simm.s32 $0x10;
	s28 =	simm.s32 $0x10180;
	s0 =	sadd.s32 $0x0, s24  }
.LBB2_32:
0x105: {  	[tilespmem:s25], [sflag:$0x2] =	stream.linear.gather [hbm4b:s0+s3], $0x80, $0x38;
	[tilespmem:$0x12100] =	vst v63  }
0x106: {  	s0 =	smov.u32 s26;
	s25 =	smov.u32 s28;
	p0 =	sne.s32 s26, $0x1F0  }
.Ltmp17:
0x107: {  	s26 =	sadd.s32 $0x10, s26;
	(pc) =	sbr.rel @p0 .LBB2_32-.Ltmp17, $2  }
0x108: {  	_ =	sdelay $0x2  }
0x109: {  	s28 =	sadd.s32 $0x100, s28;
	s0 =	sadd.s32 s0, s24  }
.Ltmp18:
0x10a: {  	(pc) =	sbr.rel .LBB2_14-.Ltmp18, $3  }
0x10b: {  	_ =	sdelay $0x1  }
0x10c: {  	[tilespmem:s25], [sflag:$0x2] =	stream.linear.gather [hbm4b:s0+s3], $0x80, $0x38;
	[tilespmem:$0x12100] =	vst v63  }
0x10d: {  	s23 =	sadd.s32 $0x1, s23  }
.LBB2_35:
0x10e: {  	_ =	sfence.sel $0x180000  }
0x10f: {  	[bflag:$0x0] =	sbarrier.arrive $0xFFFF  }
0x110: {  	_ =	strace $0x9000004D  }
0x111: {  	[bflag:$0x2] =	sbarrier.arrive $0xFFFF  }
0x112: {  	p0 =	sne.s32 s2, $0x0;
	s0 =	rddreg [dreg:$0x1]  }
0x113: {  	s0 =	sadd.s32 @!p0 $0x100000, s0  }
0x114: {  	[sflag:s0] =	ssyncadd.tile.s32 @!p0 $0x1;
	_ =	shalt  }
.Lfunc_end2:
_tile_overlayer_lowered:
.L_overlay_start_2:
0x115: {  	(tag) =	ssettag $0x2  }
0x116: {  	s0 =	rddreg [dreg:$0x0];
	s2 =	stileid.u32  }
0x117: {  	s1 =	rddreg [dreg:$0x1];
	p0 =	sne.s32 s2, $0x0  }
0x118: {  	s3 =	rddreg [dreg:$0x2];
	[bflag:$0x3] =	sbarrier.arrive $0xFFFF;
	s2 =	simm.s32 @!p0 $0x1C03  }
0x119: {  	[timem:s3], [sflag:s2] =	dma.local @!p0 [hbm:s0], s1  }
0x11a: {  	s0 =	simm.s32 @!p0 $0x3  }
0x11b: {  	_ =	swait.ge @!p0 [sflag:s0], s1  }
0x11c: {  	s1 =	ssub.s32 @!p0 $0x0, s1;
	[sflag:s0] =	ssyncset.done @!p0 $0x0  }
0x11d: {  	[sflag:s0] =	ssyncadd.s32 @!p0 s1  }
0x11e: {  	[bflag:$0x3] =	sbarrier.arrive $0xFFFF  }
0x11f: {  	_ =	shalt  }

// kernel: sparse-core-data-format-call.1.cloned.1.call-start
scs
called_computation.1_lowered:
.L_overlay_start_0:
0x0: {  	s2 =	sld [smem:$0x3FD9]  }
0x1: {  	s3 =	sld [smem:$0x3FFE];
	_ =	sdelay $0x1  }
0x2: {  	s1 =	srdreg.scid  }
0x3: {  	s0 =	sand.u32 $0x1, s1  }
0x4: {  	s18 =	sshll.u32 s0, $0xA;
	s2 =	sadd.s32 s3, s2  }
0x5: {  	s2 =	sadd.s32 s2, s18  }
0x6: {  	[smem:$0x3FC5] =	sst s2  }
0x7: {  	_ = 	snop  }
0x8: {  	s2 =	sld [smem:$0x3FC9];
	(tm) =	ssettm $0x1  }
0x9: {  	s19 =	sld [smem:$0x3FFB];
	_ =	sdelay $0x3  }
0xa: {  	_ =	strace s19  }
0xb: {  	s3 =	sld [smem:$0x3FFC];
	_ =	sdelay $0x3  }
0xc: {  	_ =	strace s3  }
0xd: {  	s3 =	sld [smem:$0x3FFD];
	_ =	sdelay $0x3  }
0xe: {  	_ =	strace s3  }
0xf: {  	_ =	strace $0x8FFFFFFF  }
0x10: {  	s20 =	sld [smem:$0x3FDB];
	_ =	sdelay $0x1  }
0x11: {  	s4 =	simm.s32 $_scs_section_size  }
0x12: {  	s5 =	simm.s32 $_size__tile_overlayer_lowered;
	s6 =	simm.s32 $_tile_overlayer_lowered  }
0x13: {  	s23 =	simm.s32 $0x1BFF;
	s22 =	sshll.u32 s6, $0x1;
	s3 =	sadd.s32 s4, s20  }
0x14: {  	s7 =	simm.s32 $0x0;
	s21 =	sshll.u32 s5, $0x1;
	s5 =	sadd.s32 s22, s3  }
0x15: {  	[timem:s7], [sflag:s23] =	dma.local [hbm:s5], s21  }
0x16: {  	_ =	swait.ge [sflag:s23], s21  }
0x17: {  	s4 =	ssub.s32 $0x0, s21;
	[sflag:s23] =	ssyncset.done $0x0  }
0x18: {  	[sflag:s23] =	ssyncadd.s32 s4;
	_ =	sdelay $0x1  }
0x19: {  	s24 =	simm.s32 $0x1B8B  }
0x1a: {  	_ =	swait.ge [sflag:s24], $0x1  }
0x1b: {  	[sflag:s24] =	ssyncset.done $0x0  }
0x1c: {  	s26 =	simm.s32 $0x1B8E;
	s25 =	sld [smem:$0x3FFE];
	[sflag:s24] =	ssyncadd.s32 $0xFFFFFFFF  }
0x1d: {  	s27 =	simm.s32 $execute0_lowered;
	[smem:$0x3FD2] =	sst s26  }
0x1e: {  	s5 =	sshll.u32 s27, $0x1;
	_ =	strace $0x80000046;
	[dreg:$0x1] =	wrdreg $0xFFFFFFFF  }
0x1f: {  	s28 =	simm.s32 $_size_execute0_lowered;
	s3 =	sadd.s32 s3, s5;
	[dreg:$0x0] =	wrdreg $0x0  }
0x20: {  	s5 =	sshll.u32 s28, $0x1;
	[dreg:$0x2] =	wrdreg s3  }
0x21: {  	[dreg:$0x3] =	wrdreg s5  }
0x22: {  	[dreg:$0x4] =	wrdreg $0xC0  }
0x23: {  	_ =	task [dreg:s7], $0x5FFFF  }
0x24: {  	[dreg:$0x1] =	wrdreg $0xFFFFFFFF  }
0x25: {  	[dreg:$0x0] =	wrdreg $0x60  }
0x26: {  	[dreg:$0x2] =	wrdreg s2  }
0x27: {  	[dreg:$0x3] =	wrdreg s25  }
0x28: {  	[dreg:$0x4] =	wrdreg $0xA  }
0x29: {  	_ =	task.clear_ibuf [dreg:s7], $0x5FFFF;
	_ =	strace $0x90000046  }
0x2a: {  	s29 =	simm.s32 $0xA;
	_ =	strace $0x80000048  }
0x2b: {  	_ =	swait.ge [sflag:s29], $0x1  }
0x2c: {  	[sflag:s29] =	ssyncadd.s32 $0xFFFFFFFF  }
0x2d: {  	_ =	strace $0x90000048  }
0x2e: {  	_ =	sfence  }
0x2f: {  	s30 =	sld [smem:$0x0];
	_ =	sdelay $0x2  }
0x30: {  	s31 =	sshll.u32 s1, $0xD;
	s1 =	sshrl.u32 s1, $0x2  }
0x31: {  	s3 =	sand.u32 $0x4000, s31;
	s1 =	sadd.s32 s1, s30  }
0x32: {  	s0 =	sor.u32 s3, s0;
	s1 =	sshll.u32 s1, $0x11  }
0x33: {  	s0 =	sor.u32 s1, s0  }
0x34: {  	s0 =	sadd.s32 $0x8F2B, s0  }
0x35: {  	[sflag:s0] =	ssyncadd.remote.s32 $0x1  }
0x36: {  	_ =	sfence.sel $0xFFFF  }
0x37: {  	[dreg:$0x0] =	wrdreg $0xFFFFFFFF;
	(pc) =	sbr.abs _section_cstart, $3  }
0x38: {  	[dreg:$0x1] =	wrdreg $0xFFFFFFFF  }
0x39: {  	_ =	task.clear_ibuf [dreg:s7], $0x2FFFF;
	_ =	strace $0x9FFFFFFF  }
0x3a: {  	(tm) =	ssettm $0x7FFFFFFF  }
0x3b: {  	_ =	shalt  }
tec
execute0_lowered:
.L_overlay_start_1:
0x0: {  	(tag) =	ssettag $0x1  }
0x1: {  	s2 =	rddreg [dreg:$0x0]  }
0x2: {  	s3 =	rddreg [dreg:$0x1]  }
0x3: {  	s0 =	rddreg [dreg:$0x2];
	s4 =	srdreg.scid  }
.Ltmp0:
0x4: {  	_ =	strace $0x80000047;
	s1 =	stileid.u32;
	(pc) =	sbr.rel .LBB1_1-.Ltmp0, $4  }
0x5: {  	s6 =	simm.s32 $0x2;
	p0 =	por $0x0, $0x0;
	s5 =	sshll.u32 s4, $0x4  }
0x6: {  	s9 =	simm.s32 $0x0;
	s4 =	simm.s32 $0x1;
	s5 =	sand.u32 $0x10, s5  }
0x7: {  	s7 =	simm.s32 $0x0;
	[sflag:s4] =	ssyncpa.u1 $0x0;
	s5 =	sor.u32 s1, s5  }
0x8: {  	[sflag:s6] =	ssyncpa.u1 $0x0;
	s6 =	simm.s32 $0x0;
	s8 =	smov.u32 s5  }
.LBB1_7:
0x9: {  	s11 =	sadd.s32 $0x20, s8  }
0xa: {  	p1 =	slt.u32 s7, $0x2;
	s7 =	sadd.s32 $0x1, s7;
	p2 =	sgt.s32 s11, $0x7FF  }
0xb: {  	s11 =	smov.u32 @p2 s5;
	p2 =	sne.s32 s7, $0x42  }
.Ltmp1:
0xc: {  	_ = 	snop;
	(pc) =	sbr.rel @!p2 .LBB1_8-.Ltmp1, $4  }
0xd: {  	s10 =	simm.s32 @!p1 $0x2  }
0xe: {  	_ =	swait.ge @!p1 [sflag:s10], $0x4000  }
0xf: {  	s9 =	smov.u32 s8;
	[sflag:s10] =	ssyncset.done @!p1 $0x0  }
0x10: {  	p0 =	por !p0, !p0;
	s8 =	smov.u32 s11;
	[sflag:s10] =	ssyncadd.s32 @!p1 $0xFFFFC000  }
.LBB1_1:
0x11: {  	p1 =	sgt.u32 s7, $0x3F  }
0x12: {  	s10 =	sxor.u32 @!p1 $0xFFFFFFFF, s7  }
0x13: {  	s11 =	sshll.u32 @!p1 s8, $0xB;
	s10 =	sshll.u32 @!p1 s10, $0xE  }
0x14: {  	s12 =	simm.s32 @!p1 $0x0;
	s11 =	sadd.s32 @!p1 s2, s11;
	s10 =	sand.u32 @!p1 $0x4000, s10  }
0x15: {  	[tilespmem:s10], [sflag:$0x1] =	stream.linear.gather @!p1 [hbm4b:s11+s12], $0x4000, $0x38;
	[tilespmem:$0x10000] =	vst v63  }
0x16: {  	p1 =	seq.s32 s7, $0x0  }
0x17: {  	p2 =	seq.s32 @!p1 s7, $0x41  }
0x18: {  	p1 =	por p1, p2  }
.Ltmp2:
0x19: {  	_ = 	snop;
	(pc) =	sbr.rel @p1 .LBB1_7-.Ltmp2, $1  }
0x1a: {  	_ =	sdelay $0x3  }
0x1b: {  	s10 =	simm.s32 $0x1;
	_ =	swait.ge [sflag:s4], $0x4000;
	s12 =	sshll.u32 s7, $0xE  }
0x1c: {  	s13 =	simm.s32 $0x0;
	s10 =	simm.s32 @!p0 $0x0;
	[sflag:s4] =	ssyncset.done $0x0  }
0x1d: {  	s12 =	sand.u32 $0x4000, s12;
	s11 =	sshll.u32 s10, $0xE;
	[sflag:s4] =	ssyncadd.s32 $0xFFFFC000  }
0x1e: {  	s12 =	sor.u32 $0x8000, s12;
	s10 =	sor.u32 $0x8040, s11;
	s11 =	sor.u32 $0x40, s11  }
.LBB1_3:
0x1f: {  	v0 =	vmov s11;
	_ =	sdelay $0x3  }
0x20: {  	s15 =	simm.s32 $0x0  }
0x21: {  	v6 =	vld.idx.msk [tilespmem:v0+s15+$0x30 ss:$0x1], $0xffff  }
0x22: {  	v7 =	vld.idx.msk [tilespmem:v0+s15+$0xFFFFFFC0 ss:$0x1], $0xffff  }
0x23: {  	v5 =	vld.idx.msk [tilespmem:v0+s15+$0xFFFFFFD0 ss:$0x1], $0xffff  }
0x24: {  	v4 =	vld.idx.msk [tilespmem:v0+s15+$0xFFFFFFE0 ss:$0x1], $0xffff  }
0x25: {  	v3 =	vld.idx.msk [tilespmem:v0+s15+$0xFFFFFFF0 ss:$0x1], $0xffff  }
0x26: {  	v1 =	vld.idx.msk [tilespmem:v0+s15+$0x0 ss:$0x1], $0xffff  }
0x27: {  	v2 =	vld.idx.msk [tilespmem:v0+s15+$0x10 ss:$0x1], $0xffff;
	[tilespmem:s10+$0x30] =	vst v6  }
0x28: {  	s14 =	simm.s32 $0x80;
	s16 =	simm.s32 $0x400;
	[tilespmem:s10+$0xFFFFFFC0] =	vst v7;
	v6 =	vld.idx.msk [tilespmem:v0+s15+$0x20 ss:$0x1], $0xffff;
	s15 =	smov.u32 s10  }
.LBB1_4:
0x29: {  	p1 =	sne.s32 s16, $0xE00;
	v7 =	vld.idx.msk [tilespmem:v0+s14+$0x30 ss:$0x1], $0xffff;
	[tilespmem:s15+$0xFFFFFFD0] =	vst v5  }
0x2a: {  	v8 =	vld.idx.msk [tilespmem:v0+s14+$0xFFFFFFC0 ss:$0x1], $0xffff;
	[tilespmem:s15+$0xFFFFFFE0] =	vst v4  }
0x2b: {  	v5 =	vld.idx.msk [tilespmem:v0+s14+$0xFFFFFFD0 ss:$0x1], $0xffff;
	[tilespmem:s15+$0xFFFFFFF0] =	vst v3  }
.Ltmp3:
0x2c: {  	v4 =	vld.idx.msk [tilespmem:v0+s14+$0xFFFFFFE0 ss:$0x1], $0xffff;
	[tilespmem:s15+$0x0] =	vst v1;
	(pc) =	sbr.rel @p1 .LBB1_4-.Ltmp3, $4  }
0x2d: {  	v3 =	vld.idx.msk [tilespmem:v0+s14+$0xFFFFFFF0 ss:$0x1], $0xffff;
	[tilespmem:s15+$0x10] =	vst v2  }
0x2e: {  	v1 =	vld.idx.msk [tilespmem:v0+s14+$0x0 ss:$0x1], $0xffff;
	[tilespmem:s15+$0x20] =	vst v6;
	s15 =	sadd.s32 $0x800, s15  }
0x2f: {  	v2 =	vld.idx.msk [tilespmem:v0+s14+$0x10 ss:$0x1], $0xffff;
	[tilespmem:s15+$0x30] =	vst v7  }
0x30: {  	[tilespmem:s15+$0xFFFFFFC0] =	vst v8;
	v6 =	vld.idx.msk [tilespmem:v0+s14+$0x20 ss:$0x1], $0xffff;
	s14 =	sshra.s32 s16, $0x2;
	s16 =	sadd.s32 $0x200, s16  }
0x31: {  	_ =	sdelay $0x2  }
0x32: {  	[tilespmem:s15+$0xFFFFFFD0] =	vst v5  }
0x33: {  	v56 =	vld.idx.msk [tilespmem:v0+s14+$0x30 ss:$0x1], $0xffff;
	[tilespmem:s15+$0xFFFFFFE0] =	vst v4  }
0x34: {  	v57 =	vld.idx.msk [tilespmem:v0+s14+$0xFFFFFFC0 ss:$0x1], $0xffff;
	[tilespmem:s15+$0xFFFFFFF0] =	vst v3  }
0x35: {  	v58 =	vld.idx.msk [tilespmem:v0+s14+$0xFFFFFFD0 ss:$0x1], $0xffff;
	[tilespmem:s15+$0x0] =	vst v1  }
0x36: {  	v59 =	vld.idx.msk [tilespmem:v0+s14+$0xFFFFFFE0 ss:$0x1], $0xffff;
	[tilespmem:s15+$0x10] =	vst v2  }
0x37: {  	v60 =	vld.idx.msk [tilespmem:v0+s14+$0xFFFFFFF0 ss:$0x1], $0xffff;
	s31 =	sadd.s32 $0x800, s15;
	[tilespmem:s15+$0x20] =	vst v6  }
0x38: {  	v61 =	vld.idx.msk [tilespmem:v0+s14+$0x0 ss:$0x1], $0xffff;
	[tilespmem:s31+$0x30] =	vst v56  }
0x39: {  	v62 =	vld.idx.msk [tilespmem:v0+s14+$0x10 ss:$0x1], $0xffff;
	s13 =	sadd.s32 $0x1, s13;
	[tilespmem:s31+$0xFFFFFFC0] =	vst v57  }
0x3a: {  	v63 =	vld.idx.msk [tilespmem:v0+s14+$0x20 ss:$0x1], $0xffff;
	p1 =	sne.s32 s13, $0x10;
	[tilespmem:s31+$0xFFFFFFD0] =	vst v58  }
.Ltmp4:
0x3b: {  	[tilespmem:s31+$0xFFFFFFE0] =	vst v59;
	(pc) =	sbr.rel @p1 .LBB1_3-.Ltmp4, $4  }
0x3c: {  	[tilespmem:s31+$0xFFFFFFF0] =	vst v60  }
0x3d: {  	[tilespmem:s31+$0x0] =	vst v61  }
0x3e: {  	[tilespmem:s31+$0x10] =	vst v62  }
0x3f: {  	s10 =	sadd.s32 $0x80, s10;
	s11 =	sadd.s32 $0x400, s11;
	[tilespmem:s31+$0x20] =	vst v63  }
.Ltmp5:
0x40: {  	(pc) =	sbr.rel .LBB1_7-.Ltmp5, $4  }
0x41: {  	_ = 	snop  }
0x42: {  	s9 =	sshll.u32 s9, $0xB  }
0x43: {  	s9 =	sadd.s32 s3, s9  }
0x44: {  	[hbm4b:s9+s6] =	stream.linear.scatter [tilespmem:s12], [sflag:$0x2], $0x4000, $0x38;
	[tilespmem:$0x10000] =	vst v63  }
.LBB1_8:
0x45: {  	_ =	sfence.sel $0x180000  }
0x46: {  	s2 =	simm.s32 $0x1;
	[bflag:$0x0] =	sbarrier.arrive $0xFFFF  }
0x47: {  	s31 =	simm.s32 $0x2;
	[sflag:s2] =	ssyncpa.u1 $0x1  }
0x48: {  	[sflag:s31] =	ssyncpa.u1 $0x1  }
0x49: {  	p0 =	sne.s32 s1, $0x0;
	_ =	strace $0x90000047  }
0x4a: {  	s0 =	sadd.s32 @!p0 $0x100000, s0;
	[bflag:$0x2] =	sbarrier.arrive $0xFFFF  }
0x4b: {  	[sflag:s0] =	ssyncadd.tile.s32 @!p0 $0x1;
	_ =	shalt  }
.Lfunc_end1:
_tile_overlayer_lowered:
.L_overlay_start_2:
0x4c: {  	(tag) =	ssettag $0x2  }
0x4d: {  	s0 =	rddreg [dreg:$0x0];
	s2 =	stileid.u32  }
0x4e: {  	s1 =	rddreg [dreg:$0x1];
	p0 =	sne.s32 s2, $0x0  }
0x4f: {  	s3 =	rddreg [dreg:$0x2];
	[bflag:$0x3] =	sbarrier.arrive $0xFFFF;
	s2 =	simm.s32 @!p0 $0x1C01  }
0x50: {  	[timem:s3], [sflag:s2] =	dma.local @!p0 [hbm:s0], s1  }
0x51: {  	s0 =	simm.s32 @!p0 $0x1  }
0x52: {  	_ =	swait.ge @!p0 [sflag:s0], s1  }
0x53: {  	s1 =	ssub.s32 @!p0 $0x0, s1;
	[sflag:s0] =	ssyncset.done @!p0 $0x0  }
0x54: {  	[sflag:s0] =	ssyncadd.s32 @!p0 s1  }
0x55: {  	[bflag:$0x3] =	sbarrier.arrive $0xFFFF  }
0x56: {  	_ =	shalt  }

// kernel: sparse-core-data-format-call.cloned.1.call-start
scs
called_computation_lowered:
.L_overlay_start_0:
0x0: {  	s2 =	sld [smem:$0x3FD9]  }
0x1: {  	s3 =	sld [smem:$0x3FFE];
	_ =	sdelay $0x1  }
0x2: {  	s1 =	srdreg.scid  }
0x3: {  	s0 =	sand.u32 $0x1, s1  }
0x4: {  	s18 =	sshll.u32 s0, $0xA;
	s2 =	sadd.s32 s3, s2  }
0x5: {  	s2 =	sadd.s32 s2, s18  }
0x6: {  	[smem:$0x3FC5] =	sst s2  }
0x7: {  	_ = 	snop  }
0x8: {  	s19 =	sld [smem:$0x3FC8];
	(tm) =	ssettm $0x1  }
0x9: {  	s20 =	sld [smem:$0x3FFB];
	_ =	sdelay $0x3  }
0xa: {  	_ =	strace s20  }
0xb: {  	s2 =	sld [smem:$0x3FFC];
	_ =	sdelay $0x3  }
0xc: {  	_ =	strace s2  }
0xd: {  	s2 =	sld [smem:$0x3FFD];
	_ =	sdelay $0x3  }
0xe: {  	_ =	strace s2  }
0xf: {  	_ =	strace $0x8FFFFFFF  }
0x10: {  	s21 =	sld [smem:$0x3FDB];
	_ =	sdelay $0x1  }
0x11: {  	s4 =	simm.s32 $_scs_section_size  }
0x12: {  	s5 =	simm.s32 $_size__tile_overlayer_lowered;
	s6 =	simm.s32 $_tile_overlayer_lowered  }
0x13: {  	s7 =	simm.s32 $0x1BFF;
	s22 =	sshll.u32 s6, $0x1;
	s4 =	sadd.s32 s4, s21  }
0x14: {  	s23 =	simm.s32 $0x0;
	s5 =	sshll.u32 s5, $0x1;
	s6 =	sadd.s32 s22, s4  }
0x15: {  	[timem:s23], [sflag:s7] =	dma.local [hbm:s6], s5  }
0x16: {  	_ =	swait.ge [sflag:s7], s5  }
0x17: {  	s5 =	ssub.s32 $0x0, s5;
	[sflag:s7] =	ssyncset.done $0x0  }
0x18: {  	[sflag:s7] =	ssyncadd.s32 s5;
	_ =	sdelay $0x1  }
0x19: {  	s24 =	simm.s32 $0x1B8B  }
0x1a: {  	_ =	swait.ge [sflag:s24], $0x1  }
0x1b: {  	[sflag:s24] =	ssyncset.done $0x0  }
0x1c: {  	[sflag:s24] =	ssyncadd.s32 $0xFFFFFFFF  }
0x1d: {  	s5 =	sld [smem:$0x0]  }
0x1e: {  	s6 =	sand.u32 $0xFFFFFFFE, s1  }
0x1f: {  	p0 =	sne.s32 s1, s6  }
0x20: {  	s6 =	sshll.u32 @p0 s6, $0xE  }
0x21: {  	s6 =	sadd.s32 @p0 $0x11B8D, s6;
	s7 =	sshll.u32 @p0 s5, $0x11  }
0x22: {  	s6 =	sor.u32 @p0 s7, s6  }
0x23: {  	[sflag:s6] =	ssyncadd.remote.s32 @p0 $0x1;
	_ =	sdelay $0x1  }
0x24: {  	s6 =	simm.s32 @p0 $0x1B8D  }
0x25: {  	_ =	swait.eq @p0 [sflag:s6], $0x1  }
0x26: {  	[sflag:s6] =	ssyncadd.s32 @p0 $0xFFFFFFFF  }
0x27: {  	s7 =	sshll.u32 @!p0 s1, $0xE  }
0x28: {  	s7 =	sor.u32 @!p0 $0x4000, s7;
	s6 =	simm.s32 @!p0 $0x1B8D  }
0x29: {  	s5 =	sshll.u32 @!p0 s5, $0x11;
	s7 =	sadd.s32 @!p0 $0x11B8D, s7;
	_ =	swait.eq @!p0 [sflag:s6], $0x1  }
0x2a: {  	s5 =	sor.u32 @!p0 s5, s7;
	[sflag:s6] =	ssyncadd.s32 @!p0 $0xFFFFFFFF  }
0x2b: {  	s26 =	simm.s32 $0x1B8E;
	s25 =	sld [smem:$0x3FFE];
	[sflag:s5] =	ssyncadd.remote.s32 @!p0 $0x1  }
0x2c: {  	s27 =	simm.s32 $execute0_lowered;
	[smem:$0x3FD2] =	sst s26  }
0x2d: {  	s6 =	sshll.u32 s27, $0x1;
	_ =	strace $0x80000049;
	[dreg:$0x1] =	wrdreg $0xFFFFFFFF  }
0x2e: {  	s28 =	simm.s32 $_size_execute0_lowered;
	s4 =	sadd.s32 s4, s6;
	[dreg:$0x0] =	wrdreg $0x0  }
0x2f: {  	s6 =	sshll.u32 s28, $0x1;
	[dreg:$0x2] =	wrdreg s4  }
0x30: {  	[dreg:$0x3] =	wrdreg s6  }
0x31: {  	[dreg:$0x4] =	wrdreg $0xC0  }
0x32: {  	_ =	task [dreg:s23], $0x5FFFF  }
0x33: {  	[dreg:$0x1] =	wrdreg $0xFFFFFFFF  }
0x34: {  	[dreg:$0x0] =	wrdreg $0x60  }
0x35: {  	[dreg:$0x2] =	wrdreg s19  }
0x36: {  	[dreg:$0x3] =	wrdreg s25  }
0x37: {  	[dreg:$0x4] =	wrdreg $0x9  }
0x38: {  	_ =	task.clear_ibuf [dreg:s23], $0x5FFFF;
	_ =	strace $0x90000049  }
0x39: {  	s29 =	simm.s32 $0x9;
	_ =	strace $0x8000004B  }
0x3a: {  	_ =	swait.ge [sflag:s29], $0x1  }
0x3b: {  	[sflag:s29] =	ssyncadd.s32 $0xFFFFFFFF  }
0x3c: {  	_ =	strace $0x9000004B  }
0x3d: {  	_ =	sfence  }
0x3e: {  	s30 =	sld [smem:$0x0];
	_ =	sdelay $0x2  }
0x3f: {  	s31 =	sshll.u32 s1, $0xD;
	s1 =	sshrl.u32 s1, $0x2  }
0x40: {  	s4 =	sand.u32 $0x4000, s31;
	s1 =	sadd.s32 s1, s30  }
0x41: {  	s0 =	sor.u32 s4, s0;
	s1 =	sshll.u32 s1, $0x11  }
0x42: {  	s0 =	sor.u32 s1, s0  }
0x43: {  	s0 =	sadd.s32 $0x8F2B, s0  }
0x44: {  	[sflag:s0] =	ssyncadd.remote.s32 $0x1  }
0x45: {  	_ =	sfence.sel $0xFFFF  }
0x46: {  	[dreg:$0x0] =	wrdreg $0xFFFFFFFF;
	(pc) =	sbr.abs _section_cstart, $3  }
0x47: {  	[dreg:$0x1] =	wrdreg $0xFFFFFFFF  }
0x48: {  	_ =	task.clear_ibuf [dreg:s23], $0x2FFFF;
	_ =	strace $0x9FFFFFFF  }
0x49: {  	(tm) =	ssettm $0x7FFFFFFF  }
tec
execute0_lowered:
.L_overlay_start_1:
0x0: {  	(tag) =	ssettag $0x1  }
0x1: {  	s2 =	rddreg [dreg:$0x0]  }
0x2: {  	s1 =	rddreg [dreg:$0x1]  }
0x3: {  	s0 =	rddreg [dreg:$0x2];
	_ =	strace $0x8000004A;
	s4 =	srdreg.scid  }
.Ltmp0:
0x4: {  	s6 =	simm.s32 $0x2;
	p0 =	por $0x0, $0x0;
	(pc) =	sbr.rel .LBB1_1-.Ltmp0, $4  }
0x5: {  	s9 =	simm.s32 $0x0;
	s3 =	sadd.s32 $0x400000, s1;
	s5 =	sshll.u32 s4, $0x4  }
0x6: {  	s1 =	stileid.u32;
	s4 =	simm.s32 $0x1;
	s5 =	sand.u32 $0x10, s5  }
0x7: {  	s7 =	simm.s32 $0x0;
	[sflag:s4] =	ssyncpa.u1 $0x0;
	s5 =	sor.u32 s1, s5  }
0x8: {  	[sflag:s6] =	ssyncpa.u1 $0x0;
	s6 =	simm.s32 $0x0;
	s8 =	smov.u32 s5  }
.LBB1_7:
0x9: {  	s11 =	sadd.s32 $0x20, s8  }
0xa: {  	p1 =	slt.u32 s7, $0x2;
	s7 =	sadd.s32 $0x1, s7;
	p2 =	sgt.s32 s11, $0x7FF  }
0xb: {  	s11 =	smov.u32 @p2 s5;
	p2 =	sne.s32 s7, $0x42  }
.Ltmp1:
0xc: {  	_ = 	snop;
	(pc) =	sbr.rel @!p2 .LBB1_8-.Ltmp1, $4  }
0xd: {  	s10 =	simm.s32 @!p1 $0x2  }
0xe: {  	_ =	swait.ge @!p1 [sflag:s10], $0x4000  }
0xf: {  	s9 =	smov.u32 s8;
	[sflag:s10] =	ssyncset.done @!p1 $0x0  }
0x10: {  	p0 =	por !p0, !p0;
	s8 =	smov.u32 s11;
	[sflag:s10] =	ssyncadd.s32 @!p1 $0xFFFFC000  }
.LBB1_1:
0x11: {  	p1 =	sgt.u32 s7, $0x3F  }
0x12: {  	s10 =	sxor.u32 @!p1 $0xFFFFFFFF, s7  }
0x13: {  	s11 =	sshll.u32 @!p1 s8, $0xB;
	s10 =	sshll.u32 @!p1 s10, $0xE  }
0x14: {  	s12 =	simm.s32 @!p1 $0x0;
	s11 =	sadd.s32 @!p1 s2, s11;
	s10 =	sand.u32 @!p1 $0x4000, s10  }
0x15: {  	[tilespmem:s10], [sflag:$0x1] =	stream.linear.gather @!p1 [hbm4b:s11+s12], $0x4000, $0x38;
	[tilespmem:$0x10000] =	vst v63  }
0x16: {  	p1 =	seq.s32 s7, $0x0  }
0x17: {  	p2 =	seq.s32 @!p1 s7, $0x41  }
0x18: {  	p1 =	por p1, p2  }
.Ltmp2:
0x19: {  	_ = 	snop;
	(pc) =	sbr.rel @p1 .LBB1_7-.Ltmp2, $1  }
0x1a: {  	_ =	sdelay $0x3  }
0x1b: {  	s10 =	simm.s32 $0x1;
	_ =	swait.ge [sflag:s4], $0x4000;
	s12 =	sshll.u32 s7, $0xE  }
0x1c: {  	s13 =	simm.s32 $0x0;
	s10 =	simm.s32 @!p0 $0x0;
	[sflag:s4] =	ssyncset.done $0x0  }
0x1d: {  	s12 =	sand.u32 $0x4000, s12;
	s11 =	sshll.u32 s10, $0xE;
	[sflag:s4] =	ssyncadd.s32 $0xFFFFC000  }
0x1e: {  	s12 =	sor.u32 $0x8000, s12;
	s10 =	sor.u32 $0x8040, s11;
	s11 =	sor.u32 $0x40, s11  }
.LBB1_3:
0x1f: {  	v0 =	vmov s11;
	_ =	sdelay $0x3  }
0x20: {  	s15 =	simm.s32 $0x0  }
0x21: {  	v6 =	vld.idx.msk [tilespmem:v0+s15+$0x30 ss:$0x1], $0xffff  }
0x22: {  	v7 =	vld.idx.msk [tilespmem:v0+s15+$0xFFFFFFC0 ss:$0x1], $0xffff  }
0x23: {  	v5 =	vld.idx.msk [tilespmem:v0+s15+$0xFFFFFFD0 ss:$0x1], $0xffff  }
0x24: {  	v4 =	vld.idx.msk [tilespmem:v0+s15+$0xFFFFFFE0 ss:$0x1], $0xffff  }
0x25: {  	v3 =	vld.idx.msk [tilespmem:v0+s15+$0xFFFFFFF0 ss:$0x1], $0xffff  }
0x26: {  	v1 =	vld.idx.msk [tilespmem:v0+s15+$0x0 ss:$0x1], $0xffff  }
0x27: {  	v2 =	vld.idx.msk [tilespmem:v0+s15+$0x10 ss:$0x1], $0xffff;
	[tilespmem:s10+$0x30] =	vst v6  }
0x28: {  	s14 =	simm.s32 $0x80;
	s16 =	simm.s32 $0x400;
	[tilespmem:s10+$0xFFFFFFC0] =	vst v7;
	v6 =	vld.idx.msk [tilespmem:v0+s15+$0x20 ss:$0x1], $0xffff;
	s15 =	smov.u32 s10  }
.LBB1_4:
0x29: {  	p1 =	sne.s32 s16, $0xE00;
	v7 =	vld.idx.msk [tilespmem:v0+s14+$0x30 ss:$0x1], $0xffff;
	[tilespmem:s15+$0xFFFFFFD0] =	vst v5  }
0x2a: {  	v8 =	vld.idx.msk [tilespmem:v0+s14+$0xFFFFFFC0 ss:$0x1], $0xffff;
	[tilespmem:s15+$0xFFFFFFE0] =	vst v4  }
0x2b: {  	v5 =	vld.idx.msk [tilespmem:v0+s14+$0xFFFFFFD0 ss:$0x1], $0xffff;
	[tilespmem:s15+$0xFFFFFFF0] =	vst v3  }
.Ltmp3:
0x2c: {  	v4 =	vld.idx.msk [tilespmem:v0+s14+$0xFFFFFFE0 ss:$0x1], $0xffff;
	[tilespmem:s15+$0x0] =	vst v1;
	(pc) =	sbr.rel @p1 .LBB1_4-.Ltmp3, $4  }
0x2d: {  	v3 =	vld.idx.msk [tilespmem:v0+s14+$0xFFFFFFF0 ss:$0x1], $0xffff;
	[tilespmem:s15+$0x10] =	vst v2  }
0x2e: {  	v1 =	vld.idx.msk [tilespmem:v0+s14+$0x0 ss:$0x1], $0xffff;
	[tilespmem:s15+$0x20] =	vst v6;
	s15 =	sadd.s32 $0x800, s15  }
0x2f: {  	v2 =	vld.idx.msk [tilespmem:v0+s14+$0x10 ss:$0x1], $0xffff;
	[tilespmem:s15+$0x30] =	vst v7  }
0x30: {  	[tilespmem:s15+$0xFFFFFFC0] =	vst v8;
	v6 =	vld.idx.msk [tilespmem:v0+s14+$0x20 ss:$0x1], $0xffff;
	s14 =	sshra.s32 s16, $0x2;
	s16 =	sadd.s32 $0x200, s16  }
0x31: {  	_ =	sdelay $0x2  }
0x32: {  	[tilespmem:s15+$0xFFFFFFD0] =	vst v5  }
0x33: {  	v56 =	vld.idx.msk [tilespmem:v0+s14+$0x30 ss:$0x1], $0xffff;
	[tilespmem:s15+$0xFFFFFFE0] =	vst v4  }
0x34: {  	v57 =	vld.idx.msk [tilespmem:v0+s14+$0xFFFFFFC0 ss:$0x1], $0xffff;
	[tilespmem:s15+$0xFFFFFFF0] =	vst v3  }
0x35: {  	v58 =	vld.idx.msk [tilespmem:v0+s14+$0xFFFFFFD0 ss:$0x1], $0xffff;
	[tilespmem:s15+$0x0] =	vst v1  }
0x36: {  	v59 =	vld.idx.msk [tilespmem:v0+s14+$0xFFFFFFE0 ss:$0x1], $0xffff;
	[tilespmem:s15+$0x10] =	vst v2  }
0x37: {  	v60 =	vld.idx.msk [tilespmem:v0+s14+$0xFFFFFFF0 ss:$0x1], $0xffff;
	s31 =	sadd.s32 $0x800, s15;
	[tilespmem:s15+$0x20] =	vst v6  }
0x38: {  	v61 =	vld.idx.msk [tilespmem:v0+s14+$0x0 ss:$0x1], $0xffff;
	[tilespmem:s31+$0x30] =	vst v56  }
0x39: {  	v62 =	vld.idx.msk [tilespmem:v0+s14+$0x10 ss:$0x1], $0xffff;
	s13 =	sadd.s32 $0x1, s13;
	[tilespmem:s31+$0xFFFFFFC0] =	vst v57  }
0x3a: {  	v63 =	vld.idx.msk [tilespmem:v0+s14+$0x20 ss:$0x1], $0xffff;
	p1 =	sne.s32 s13, $0x10;
	[tilespmem:s31+$0xFFFFFFD0] =	vst v58  }
.Ltmp4:
0x3b: {  	[tilespmem:s31+$0xFFFFFFE0] =	vst v59;
	(pc) =	sbr.rel @p1 .LBB1_3-.Ltmp4, $4  }
0x3c: {  	[tilespmem:s31+$0xFFFFFFF0] =	vst v60  }
0x3d: {  	[tilespmem:s31+$0x0] =	vst v61  }
0x3e: {  	[tilespmem:s31+$0x10] =	vst v62  }
0x3f: {  	s10 =	sadd.s32 $0x80, s10;
	s11 =	sadd.s32 $0x400, s11;
	[tilespmem:s31+$0x20] =	vst v63  }
.Ltmp5:
0x40: {  	(pc) =	sbr.rel .LBB1_7-.Ltmp5, $4  }
0x41: {  	_ = 	snop  }
0x42: {  	s9 =	sshll.u32 s9, $0xB  }
0x43: {  	s9 =	sadd.s32 s3, s9  }
0x44: {  	[hbm4b:s9+s6] =	stream.linear.scatter [tilespmem:s12], [sflag:$0x2], $0x4000, $0x38;
	[tilespmem:$0x10000] =	vst v63  }
.LBB1_8:
0x45: {  	_ =	sfence.sel $0x180000  }
0x46: {  	s2 =	simm.s32 $0x1;
	[bflag:$0x0] =	sbarrier.arrive $0xFFFF  }
0x47: {  	s31 =	simm.s32 $0x2;
	[sflag:s2] =	ssyncpa.u1 $0x1  }
0x48: {  	[sflag:s31] =	ssyncpa.u1 $0x1  }
0x49: {  	p0 =	sne.s32 s1, $0x0;
	_ =	strace $0x9000004A  }
0x4a: {  	s0 =	sadd.s32 @!p0 $0x100000, s0;
	[bflag:$0x2] =	sbarrier.arrive $0xFFFF  }
0x4b: {  	[sflag:s0] =	ssyncadd.tile.s32 @!p0 $0x1;
	_ =	shalt  }
.Lfunc_end1:
_tile_overlayer_lowered:
.L_overlay_start_2:
0x4c: {  	(tag) =	ssettag $0x2  }
0x4d: {  	s0 =	rddreg [dreg:$0x0];
	s2 =	stileid.u32  }
0x4e: {  	s1 =	rddreg [dreg:$0x1];
	p0 =	sne.s32 s2, $0x0  }
0x4f: {  	s3 =	rddreg [dreg:$0x2];
	[bflag:$0x3] =	sbarrier.arrive $0xFFFF;
	s2 =	simm.s32 @!p0 $0x1C01  }
0x50: {  	[timem:s3], [sflag:s2] =	dma.local @!p0 [hbm:s0], s1  }
0x51: {  	s0 =	simm.s32 @!p0 $0x1  }
0x52: {  	_ =	swait.ge @!p0 [sflag:s0], s1  }
0x53: {  	s1 =	ssub.s32 @!p0 $0x0, s1;
	[sflag:s0] =	ssyncset.done @!p0 $0x0  }
0x54: {  	[sflag:s0] =	ssyncadd.s32 @!p0 s1  }
0x55: {  	[bflag:$0x3] =	sbarrier.arrive $0xFFFF  }
0x56: {  	_ =	shalt  }

</sc_bundles>
